<compile_context>
chip_gen: v7x
topology: tpu7x:2x2x1
jax: 0.10.2.dev20260603
libtpu: 0.0.44.dev20260713+nightly
codegen_flags: <defaults>
</compile_context>

<pallas_src>
import jax
import jax.numpy as jnp
from jax import lax
from jax.experimental import pallas as pl
from jax.experimental.pallas import tpu as pltpu
from jax.experimental.pallas import tpu_sc as plsc

NC = 2
NS = 16
NW = NC * NS
LANES = 16
DEPTH = 2

B = 4096
T = 200
D = 64
N = B * T
PER_W = N // NW
CH = 256
N_CHUNKS = PER_W // CH
CPT = B // CH
VPR = D // LANES


def _sc_body(idx_hbm, pos_hbm, alpha_hbm, sym_hbm, con_hbm, out_hbm,
             idx_all, alpha_v, *rest):
    syms = rest[0:DEPTH]
    cons = rest[DEPTH:2 * DEPTH]
    outs = rest[2 * DEPTH:3 * DEPTH]
    poss = rest[3 * DEPTH:4 * DEPTH]
    gss = rest[4 * DEPTH:5 * DEPTH]
    oss = rest[5 * DEPTH:6 * DEPTH]

    wid = lax.axis_index("s") * NC + lax.axis_index("c")
    gc0 = wid * N_CHUNKS

    pltpu.sync_copy(idx_hbm.at[pl.ds(gc0, N_CHUNKS)], idx_all)
    pltpu.sync_copy(alpha_hbm, alpha_v)
    a_v = alpha_v[...]

    def issue_gathers(c, b):
        t_c = (gc0 + c) // CPT
        pltpu.async_copy(sym_hbm.at[idx_all.at[c]], syms[b], gss[b])
        pltpu.async_copy(con_hbm.at[idx_all.at[c]], cons[b], gss[b])
        pltpu.async_copy(pos_hbm.at[pl.ds(t_c * D, D)], poss[b], gss[b])

    def wait_gathers(c, b):
        pltpu.make_async_copy(sym_hbm.at[idx_all.at[c]], syms[b], gss[b]).wait()
        pltpu.make_async_copy(con_hbm.at[idx_all.at[c]], cons[b], gss[b]).wait()
        t_c = (gc0 + c) // CPT
        pltpu.make_async_copy(pos_hbm.at[pl.ds(t_c * D, D)], poss[b], gss[b]).wait()

    def out_slice(c):
        gc = gc0 + c
        t_c = gc // CPT
        b0 = (gc % CPT) * CH
        return out_hbm.at[pl.ds(b0, CH), t_c]

    for k in range(DEPTH):
        issue_gathers(k, k)

    @pl.loop(0, N_CHUNKS, step=DEPTH)
    def outer(c_base):
        for b in range(DEPTH):
            c = c_base + b

            wait_gathers(c, b)

            @pl.when(c >= DEPTH)
            def _():
                pltpu.make_async_copy(outs[b], out_slice(c), oss[b]).wait()

            p = [poss[b][pl.ds(j * LANES, LANES)] for j in range(VPR)]
            sym_b, con_b, out_b = syms[b], cons[b], outs[b]

            @pl.loop(0, CH)
            def row_body(i):
                for j in range(VPR):
                    sl = pl.ds(j * LANES, LANES)
                    out_b[i, sl] = sym_b[i, sl] + a_v * con_b[i, sl] + p[j]

            pltpu.async_copy(outs[b], out_slice(c), oss[b])

            @pl.when(c + DEPTH < N_CHUNKS)
            def _():
                issue_gathers(c + DEPTH, b)

    for k in range(DEPTH):
        c = N_CHUNKS - DEPTH + k
        pltpu.make_async_copy(outs[k], out_slice(c), oss[k]).wait()


@jax.jit
def _run(idx_t, pos_flat, alpha_vec, symbol_emb, concept_emb):
    mesh = plsc.VectorSubcoreMesh(
        core_axis_name="c", subcore_axis_name="s",
        num_cores=NC, num_subcores=NS)
    buf = lambda: pltpu.VMEM((CH, D), jnp.float32)
    posb = lambda: pltpu.VMEM((D,), jnp.float32)
    return pl.kernel(
        _sc_body,
        out_type=jax.ShapeDtypeStruct((B, T, D), jnp.float32),
        mesh=mesh,
        compiler_params=pltpu.CompilerParams(use_tc_tiling_on_sc=False),
        scratch_types=(
            [pltpu.VMEM((N_CHUNKS, CH), jnp.int32),
             pltpu.VMEM((LANES,), jnp.float32)]
            + [buf() for _ in range(3 * DEPTH)]
            + [posb() for _ in range(DEPTH)]
            + [pltpu.SemaphoreType.DMA for _ in range(2 * DEPTH)]
        ),
    )(idx_t, pos_flat, alpha_vec, symbol_emb, concept_emb)


def kernel(idx, symbol_emb, concept_emb, pos_emb, alpha):
    idx_t = idx.T.astype(jnp.int32).reshape(N // CH, CH)
    pos_flat = pos_emb.reshape(T * D)
    alpha_vec = jnp.full((LANES,), alpha, dtype=jnp.float32)
    return _run(idx_t, pos_flat, alpha_vec, symbol_emb, concept_emb)

# --- scband reference (transcript-rebuilt; emitter-appended) ---
"""Pipeline reference for scband-hierarchical-embedding2-layer-81071802679351 (READ-ONLY COPY).

The authoritative reference and input builder live on the scoring server;
editing this copy changes nothing except your own understanding.
"""

import jax, jax.numpy as jnp
import numpy as np

VOCAB = 1000000
N_EMBD = 64
BLOCK = 200
B = 4096
T = 200

def setup_inputs(seed: int = 0) -> dict:
    key = jax.random.key(seed)
    k_idx, k_sym, k_con, k_pos = jax.random.split(key, 4)
    idx = jax.random.randint(k_idx, (B, T), 0, VOCAB, dtype=jnp.int64 if jax.config.jax_enable_x64 else jnp.int32)
    symbol_emb = jax.random.normal(k_sym, (VOCAB, N_EMBD), dtype=jnp.float32) * 0.02
    concept_emb = jax.random.normal(k_con, (VOCAB, N_EMBD), dtype=jnp.float32) * 0.02
    pos_emb = jax.random.normal(k_pos, (BLOCK, N_EMBD), dtype=jnp.float32) * 0.02
    alpha = jnp.array(0.5, dtype=jnp.float32)
    return {"idx": idx, "symbol_emb": symbol_emb, "concept_emb": concept_emb, "pos_emb": pos_emb, "alpha": alpha}

def reference(idx, symbol_emb, concept_emb, pos_emb, alpha):
    Tdim = idx.shape[1]
    symbol = jnp.take(symbol_emb, idx, axis=0)
    concept = jnp.take(concept_emb, idx, axis=0)
    pos = jnp.take(pos_emb, jnp.arange(Tdim), axis=0)
    return symbol + alpha * concept + pos

if __name__ == "__main__":
    import jax
    _d = setup_inputs()
    print(jax.jit(kernel)(*tuple(_d.values())))

</pallas_src>

<mosaic_0001>
#map = affine_map<(d0, d1) -> (0, 0)>
#map1 = affine_map<(d0, d1) -> (0)>
#map2 = affine_map<(d0, d1) -> (0, 0, 0)>
module attributes {stable_mosaic.version = 14 : i64} {
  func.func @_sc_body(%arg0: i32, %arg1: i32, %arg2: memref<3200x256xi32, #tpu.memory_space<hbm>>, %arg3: memref<12800xf32, #tpu.memory_space<hbm>>, %arg4: memref<16xf32, #tpu.memory_space<hbm>>, %arg5: memref<1000000x64xf32, #tpu.memory_space<hbm>>, %arg6: memref<1000000x64xf32, #tpu.memory_space<hbm>>, %arg7: memref<4096x200x64xf32, #tpu.memory_space<hbm>>, %arg8: memref<100x256xi32, #tpu.memory_space<vmem>>, %arg9: memref<16xf32, #tpu.memory_space<vmem>>, %arg10: memref<256x64xf32, #tpu.memory_space<vmem>>, %arg11: memref<256x64xf32, #tpu.memory_space<vmem>>, %arg12: memref<256x64xf32, #tpu.memory_space<vmem>>, %arg13: memref<256x64xf32, #tpu.memory_space<vmem>>, %arg14: memref<256x64xf32, #tpu.memory_space<vmem>>, %arg15: memref<256x64xf32, #tpu.memory_space<vmem>>, %arg16: memref<64xf32, #tpu.memory_space<vmem>>, %arg17: memref<64xf32, #tpu.memory_space<vmem>>, %arg18: memref<!tpu.dma_semaphore, #tpu.memory_space<semaphore_mem>>, %arg19: memref<!tpu.dma_semaphore, #tpu.memory_space<semaphore_mem>>, %arg20: memref<!tpu.dma_semaphore, #tpu.memory_space<semaphore_mem>>, %arg21: memref<!tpu.dma_semaphore, #tpu.memory_space<semaphore_mem>>) attributes {dimension_semantics = [#tpu.dimension_semantics<core_parallel>, #tpu.dimension_semantics<subcore_parallel>], iteration_bounds = array<i64: 2, 16>, scalar_prefetch = 0 : i64, scratch_operands = 14 : i64, tpu.core_type = #tpu.core_type<sc_vector_subcore>, window_params = [{transform_indices = #map}, {transform_indices = #map1}, {transform_indices = #map1}, {transform_indices = #map}, {transform_indices = #map}, {transform_indices = #map2}]} {
    %mul3A = arith.constant 2 : i32
    %mul3A_0 = arith.muli %arg1, %mul3A : i32
    %add3A = arith.addi %mul3A_0, %arg0 : i32
    %mul3A_1 = arith.constant 100 : i32
    %mul3A_2 = arith.muli %add3A, %mul3A_1 : i32
    "tpu.region"() ({
      %run_scoped3A = tpu.sem_alloc : memref<!tpu.dma_semaphore, #tpu.memory_space<semaphore_mem>>
      %dma_start3A_185 = arith.constant 0 : i32
      %dma_start3A_186 = tpu.memref_slice %arg2[%mul3A_2, %dma_start3A_185] : memref<3200x256xi32, #tpu.memory_space<hbm>> -> memref<100x256xi32, #tpu.memory_space<hbm>>
      %dma_start3A_187 = arith.constant 0 : i32
      %dma_start3A_188 = tpu.memref_slice %arg2[%mul3A_2, %dma_start3A_187] : memref<3200x256xi32, #tpu.memory_space<hbm>> -> memref<100x256xi32, #tpu.memory_space<hbm>>
      tpu.enqueue_dma source(%dma_start3A_188 : memref<100x256xi32, #tpu.memory_space<hbm>>) target(%arg8 : memref<100x256xi32, #tpu.memory_space<vmem>>) target_semaphore(%run_scoped3A : memref<!tpu.dma_semaphore, #tpu.memory_space<semaphore_mem>>)
      %dma_wait3A_189 = arith.constant 0 : i32
      %dma_wait3A_190 = tpu.memref_slice %arg2[%mul3A_2, %dma_wait3A_189] : memref<3200x256xi32, #tpu.memory_space<hbm>> -> memref<100x256xi32, #tpu.memory_space<hbm>>
      %dma_wait3A_191 = arith.constant 0 : i32
      %dma_wait3A_192 = tpu.memref_slice %arg2[%mul3A_2, %dma_wait3A_191] : memref<3200x256xi32, #tpu.memory_space<hbm>> -> memref<100x256xi32, #tpu.memory_space<hbm>>
      tpu.wait_dma2 semaphore(%run_scoped3A : memref<!tpu.dma_semaphore, #tpu.memory_space<semaphore_mem>>) src(%dma_wait3A_192 : memref<100x256xi32, #tpu.memory_space<hbm>>) dst(%arg8 : memref<100x256xi32, #tpu.memory_space<vmem>>)
      tpu.yield
    }) : () -> ()
    "tpu.region"() ({
      %run_scoped3A = tpu.sem_alloc : memref<!tpu.dma_semaphore, #tpu.memory_space<semaphore_mem>>
      tpu.enqueue_dma source(%arg4 : memref<16xf32, #tpu.memory_space<hbm>>) target(%arg9 : memref<16xf32, #tpu.memory_space<vmem>>) target_semaphore(%run_scoped3A : memref<!tpu.dma_semaphore, #tpu.memory_space<semaphore_mem>>)
      tpu.wait_dma2 semaphore(%run_scoped3A : memref<!tpu.dma_semaphore, #tpu.memory_space<semaphore_mem>>) src(%arg4 : memref<16xf32, #tpu.memory_space<hbm>>) dst(%arg9 : memref<16xf32, #tpu.memory_space<vmem>>)
      tpu.yield
    }) : () -> ()
    %get3A = arith.constant 0 : index
    %get3A_3 = tpu.vector_load %arg9[%get3A] {strides = array<i32>} : memref<16xf32, #tpu.memory_space<vmem>>, vector<16xf32>,
    %get3A_4 = vector.shape_cast %get3A_3 : vector<16xf32> to vector<16xf32>
    %add3A_5 = arith.constant 0 : i32
    %add3A_6 = arith.addi %mul3A_2, %add3A_5 : i32
    %jit3A = arith.constant 16 : i32
    %div3A = arith.divsi %add3A_6, %jit3A : i32
    %sign3A = arith.constant 0 : i32
    %sign3A_7 = arith.cmpi sgt, %add3A_6, %sign3A : i32
    %sign3A_8 = arith.extui %sign3A_7 : i1 to i32
    %sign3A_9 = arith.constant 0 : i32
    %sign3A_10 = arith.cmpi slt, %add3A_6, %sign3A_9 : i32
    %sign3A_11 = arith.extui %sign3A_10 : i1 to i32
    %sign3A_12 = arith.subi %sign3A_8, %sign3A_11 : i32
    %sign3A_13 = arith.constant 0 : i32
    %sign3A_14 = arith.cmpi sgt, %jit3A, %sign3A_13 : i32
    %sign3A_15 = arith.extui %sign3A_14 : i1 to i32
    %sign3A_16 = arith.constant 0 : i32
    %sign3A_17 = arith.cmpi slt, %jit3A, %sign3A_16 : i32
    %sign3A_18 = arith.extui %sign3A_17 : i1 to i32
    %sign3A_19 = arith.subi %sign3A_15, %sign3A_18 : i32
    %ne3A = arith.cmpi ne, %sign3A_12, %sign3A_19 : i32
    %rem3A = arith.remsi %add3A_6, %jit3A : i32
    %ne3A_20 = arith.constant 0 : i32
    %ne3A_21 = arith.cmpi ne, %rem3A, %ne3A_20 : i32
    %and3A = arith.andi %ne3A, %ne3A_21 : i1
    %sub3A = arith.constant 1 : i32
    %sub3A_22 = arith.subi %div3A, %sub3A : i32
    %select_n3A = arith.select %and3A, %sub3A_22, %div3A : i32
    %dma_start3A = arith.constant 0 : i32
    %dma_start3A_23 = arith.constant 0 : i32
    %dma_start3A_24 = tpu.memref_slice %arg8[%dma_start3A, %dma_start3A_23] : memref<100x256xi32, #tpu.memory_space<vmem>> -> memref<1x256xi32, #tpu.memory_space<vmem>>
    %dma_start3A_25 = tpu.memref_squeeze %dma_start3A_24 : memref<1x256xi32, #tpu.memory_space<vmem>> -> memref<256xi32, #tpu.memory_space<vmem>>
    %dma_start3A_26 = arith.constant 0 : i32
    %dma_start3A_27 = arith.constant 0 : i32
    %dma_start3A_28 = tpu.memref_slice %arg5[%dma_start3A_26, %dma_start3A_27] : memref<1000000x64xf32, #tpu.memory_space<hbm>> -> memref<1000000x64xf32, #tpu.memory_space<hbm>>
    tpu.enqueue_indirect_dma source(%dma_start3A_28 : memref<1000000x64xf32, #tpu.memory_space<hbm>>) target(%arg10 : memref<256x64xf32, #tpu.memory_space<vmem>>) offsets(%dma_start3A_25 : memref<256xi32, #tpu.memory_space<vmem>>) semaphore(%arg18 : memref<!tpu.dma_semaphore, #tpu.memory_space<semaphore_mem>>)
    %dma_start3A_29 = arith.constant 0 : i32
    %dma_start3A_30 = arith.constant 0 : i32
    %dma_start3A_31 = tpu.memref_slice %arg8[%dma_start3A_29, %dma_start3A_30] : memref<100x256xi32, #tpu.memory_space<vmem>> -> memref<1x256xi32, #tpu.memory_space<vmem>>
    %dma_start3A_32 = tpu.memref_squeeze %dma_start3A_31 : memref<1x256xi32, #tpu.memory_space<vmem>> -> memref<256xi32, #tpu.memory_space<vmem>>
    %dma_start3A_33 = arith.constant 0 : i32
    %dma_start3A_34 = arith.constant 0 : i32
    %dma_start3A_35 = tpu.memref_slice %arg6[%dma_start3A_33, %dma_start3A_34] : memref<1000000x64xf32, #tpu.memory_space<hbm>> -> memref<1000000x64xf32, #tpu.memory_space<hbm>>
    tpu.enqueue_indirect_dma source(%dma_start3A_35 : memref<1000000x64xf32, #tpu.memory_space<hbm>>) target(%arg12 : memref<256x64xf32, #tpu.memory_space<vmem>>) offsets(%dma_start3A_32 : memref<256xi32, #tpu.memory_space<vmem>>) semaphore(%arg18 : memref<!tpu.dma_semaphore, #tpu.memory_space<semaphore_mem>>)
    %mul3A_36 = arith.constant 64 : i32
    %mul3A_37 = arith.muli %select_n3A, %mul3A_36 : i32
    %dma_start3A_38 = tpu.memref_slice %arg3[%mul3A_37] : memref<12800xf32, #tpu.memory_space<hbm>> -> memref<64xf32, #tpu.memory_space<hbm>>
    %dma_start3A_39 = tpu.memref_slice %arg3[%mul3A_37] : memref<12800xf32, #tpu.memory_space<hbm>> -> memref<64xf32, #tpu.memory_space<hbm>>
    tpu.enqueue_dma source(%dma_start3A_39 : memref<64xf32, #tpu.memory_space<hbm>>) target(%arg16 : memref<64xf32, #tpu.memory_space<vmem>>) target_semaphore(%arg18 : memref<!tpu.dma_semaphore, #tpu.memory_space<semaphore_mem>>)
    %add3A_40 = arith.constant 1 : i32
    %add3A_41 = arith.addi %mul3A_2, %add3A_40 : i32
    %jit3A_42 = arith.constant 16 : i32
    %div3A_43 = arith.divsi %add3A_41, %jit3A_42 : i32
    %sign3A_44 = arith.constant 0 : i32
    %sign3A_45 = arith.cmpi sgt, %add3A_41, %sign3A_44 : i32
    %sign3A_46 = arith.extui %sign3A_45 : i1 to i32
    %sign3A_47 = arith.constant 0 : i32
    %sign3A_48 = arith.cmpi slt, %add3A_41, %sign3A_47 : i32
    %sign3A_49 = arith.extui %sign3A_48 : i1 to i32
    %sign3A_50 = arith.subi %sign3A_46, %sign3A_49 : i32
    %sign3A_51 = arith.constant 0 : i32
    %sign3A_52 = arith.cmpi sgt, %jit3A_42, %sign3A_51 : i32
    %sign3A_53 = arith.extui %sign3A_52 : i1 to i32
    %sign3A_54 = arith.constant 0 : i32
    %sign3A_55 = arith.cmpi slt, %jit3A_42, %sign3A_54 : i32
    %sign3A_56 = arith.extui %sign3A_55 : i1 to i32
    %sign3A_57 = arith.subi %sign3A_53, %sign3A_56 : i32
    %ne3A_58 = arith.cmpi ne, %sign3A_50, %sign3A_57 : i32
    %rem3A_59 = arith.remsi %add3A_41, %jit3A_42 : i32
    %ne3A_60 = arith.constant 0 : i32
    %ne3A_61 = arith.cmpi ne, %rem3A_59, %ne3A_60 : i32
    %and3A_62 = arith.andi %ne3A_58, %ne3A_61 : i1
    %sub3A_63 = arith.constant 1 : i32
    %sub3A_64 = arith.subi %div3A_43, %sub3A_63 : i32
    %select_n3A_65 = arith.select %and3A_62, %sub3A_64, %div3A_43 : i32
    %dma_start3A_66 = arith.constant 1 : i32
    %dma_start3A_67 = arith.constant 0 : i32
    %dma_start3A_68 = tpu.memref_slice %arg8[%dma_start3A_66, %dma_start3A_67] : memref<100x256xi32, #tpu.memory_space<vmem>> -> memref<1x256xi32, #tpu.memory_space<vmem>>
    %dma_start3A_69 = tpu.memref_squeeze %dma_start3A_68 : memref<1x256xi32, #tpu.memory_space<vmem>> -> memref<256xi32, #tpu.memory_space<vmem>>
    %dma_start3A_70 = arith.constant 0 : i32
    %dma_start3A_71 = arith.constant 0 : i32
    %dma_start3A_72 = tpu.memref_slice %arg5[%dma_start3A_70, %dma_start3A_71] : memref<1000000x64xf32, #tpu.memory_space<hbm>> -> memref<1000000x64xf32, #tpu.memory_space<hbm>>
    tpu.enqueue_indirect_dma source(%dma_start3A_72 : memref<1000000x64xf32, #tpu.memory_space<hbm>>) target(%arg11 : memref<256x64xf32, #tpu.memory_space<vmem>>) offsets(%dma_start3A_69 : memref<256xi32, #tpu.memory_space<vmem>>) semaphore(%arg19 : memref<!tpu.dma_semaphore, #tpu.memory_space<semaphore_mem>>)
    %dma_start3A_73 = arith.constant 1 : i32
    %dma_start3A_74 = arith.constant 0 : i32
    %dma_start3A_75 = tpu.memref_slice %arg8[%dma_start3A_73, %dma_start3A_74] : memref<100x256xi32, #tpu.memory_space<vmem>> -> memref<1x256xi32, #tpu.memory_space<vmem>>
    %dma_start3A_76 = tpu.memref_squeeze %dma_start3A_75 : memref<1x256xi32, #tpu.memory_space<vmem>> -> memref<256xi32, #tpu.memory_space<vmem>>
    %dma_start3A_77 = arith.constant 0 : i32
    %dma_start3A_78 = arith.constant 0 : i32
    %dma_start3A_79 = tpu.memref_slice %arg6[%dma_start3A_77, %dma_start3A_78] : memref<1000000x64xf32, #tpu.memory_space<hbm>> -> memref<1000000x64xf32, #tpu.memory_space<hbm>>
    tpu.enqueue_indirect_dma source(%dma_start3A_79 : memref<1000000x64xf32, #tpu.memory_space<hbm>>) target(%arg13 : memref<256x64xf32, #tpu.memory_space<vmem>>) offsets(%dma_start3A_76 : memref<256xi32, #tpu.memory_space<vmem>>) semaphore(%arg19 : memref<!tpu.dma_semaphore, #tpu.memory_space<semaphore_mem>>)
    %mul3A_80 = arith.constant 64 : i32
    %mul3A_81 = arith.muli %select_n3A_65, %mul3A_80 : i32
    %dma_start3A_82 = tpu.memref_slice %arg3[%mul3A_81] : memref<12800xf32, #tpu.memory_space<hbm>> -> memref<64xf32, #tpu.memory_space<hbm>>
    %dma_start3A_83 = tpu.memref_slice %arg3[%mul3A_81] : memref<12800xf32, #tpu.memory_space<hbm>> -> memref<64xf32, #tpu.memory_space<hbm>>
    tpu.enqueue_dma source(%dma_start3A_83 : memref<64xf32, #tpu.memory_space<hbm>>) target(%arg17 : memref<64xf32, #tpu.memory_space<vmem>>) target_semaphore(%arg19 : memref<!tpu.dma_semaphore, #tpu.memory_space<semaphore_mem>>)
    %scan3A = arith.constant 0 : i32
    %scan3A_84 = arith.constant 50 : i32
    %scan3A_85 = arith.addi %scan3A, %scan3A_84 : i32
    %scan3A_86 = arith.constant 1 : i32
    scf.for %scan3A_185 = %scan3A to %scan3A_85 step %scan3A_86  : i32 {
      %mul3A_186 = arith.constant 2 : i32
      %mul3A_187 = arith.muli %scan3A_185, %mul3A_186 : i32
      %add3A_188 = arith.constant 0 : i32
      %add3A_189 = arith.addi %add3A_188, %mul3A_187 : i32
      %add3A_190 = arith.constant 0 : i32
      %add3A_191 = arith.addi %add3A_189, %add3A_190 : i32
      %dma_wait3A_192 = arith.constant 0 : i32
      %dma_wait3A_193 = tpu.memref_slice %arg8[%add3A_191, %dma_wait3A_192] : memref<100x256xi32, #tpu.memory_space<vmem>> -> memref<1x256xi32, #tpu.memory_space<vmem>>
      %dma_wait3A_194 = tpu.memref_squeeze %dma_wait3A_193 : memref<1x256xi32, #tpu.memory_space<vmem>> -> memref<256xi32, #tpu.memory_space<vmem>>
      %dma_wait3A_195 = arith.constant 0 : i32
      %dma_wait3A_196 = arith.constant 0 : i32
      %dma_wait3A_197 = tpu.memref_slice %arg5[%dma_wait3A_195, %dma_wait3A_196] : memref<1000000x64xf32, #tpu.memory_space<hbm>> -> memref<1000000x64xf32, #tpu.memory_space<hbm>>
      tpu.wait_indirect_dma semaphore(%arg18 : memref<!tpu.dma_semaphore, #tpu.memory_space<semaphore_mem>>) src(%dma_wait3A_197 : memref<1000000x64xf32, #tpu.memory_space<hbm>>) dst(%arg10 : memref<256x64xf32, #tpu.memory_space<vmem>>)
      %dma_wait3A_198 = arith.constant 0 : i32
      %dma_wait3A_199 = tpu.memref_slice %arg8[%add3A_191, %dma_wait3A_198] : memref<100x256xi32, #tpu.memory_space<vmem>> -> memref<1x256xi32, #tpu.memory_space<vmem>>
      %dma_wait3A_200 = tpu.memref_squeeze %dma_wait3A_199 : memref<1x256xi32, #tpu.memory_space<vmem>> -> memref<256xi32, #tpu.memory_space<vmem>>
      %dma_wait3A_201 = arith.constant 0 : i32
      %dma_wait3A_202 = arith.constant 0 : i32
      %dma_wait3A_203 = tpu.memref_slice %arg6[%dma_wait3A_201, %dma_wait3A_202] : memref<1000000x64xf32, #tpu.memory_space<hbm>> -> memref<1000000x64xf32, #tpu.memory_space<hbm>>
      tpu.wait_indirect_dma semaphore(%arg18 : memref<!tpu.dma_semaphore, #tpu.memory_space<semaphore_mem>>) src(%dma_wait3A_203 : memref<1000000x64xf32, #tpu.memory_space<hbm>>) dst(%arg12 : memref<256x64xf32, #tpu.memory_space<vmem>>)
      %add3A_204 = arith.addi %mul3A_2, %add3A_191 : i32
      %jit3A_205 = arith.constant 16 : i32
      %div3A_206 = arith.divsi %add3A_204, %jit3A_205 : i32
      %sign3A_207 = arith.constant 0 : i32
      %sign3A_208 = arith.cmpi sgt, %add3A_204, %sign3A_207 : i32
      %sign3A_209 = arith.extui %sign3A_208 : i1 to i32
      %sign3A_210 = arith.constant 0 : i32
      %sign3A_211 = arith.cmpi slt, %add3A_204, %sign3A_210 : i32
      %sign3A_212 = arith.extui %sign3A_211 : i1 to i32
      %sign3A_213 = arith.subi %sign3A_209, %sign3A_212 : i32
      %sign3A_214 = arith.constant 0 : i32
      %sign3A_215 = arith.cmpi sgt, %jit3A_205, %sign3A_214 : i32
      %sign3A_216 = arith.extui %sign3A_215 : i1 to i32
      %sign3A_217 = arith.constant 0 : i32
      %sign3A_218 = arith.cmpi slt, %jit3A_205, %sign3A_217 : i32
      %sign3A_219 = arith.extui %sign3A_218 : i1 to i32
      %sign3A_220 = arith.subi %sign3A_216, %sign3A_219 : i32
      %ne3A_221 = arith.cmpi ne, %sign3A_213, %sign3A_220 : i32
      %rem3A_222 = arith.remsi %add3A_204, %jit3A_205 : i32
      %ne3A_223 = arith.constant 0 : i32
      %ne3A_224 = arith.cmpi ne, %rem3A_222, %ne3A_223 : i32
      %and3A_225 = arith.andi %ne3A_221, %ne3A_224 : i1
      %sub3A_226 = arith.constant 1 : i32
      %sub3A_227 = arith.subi %div3A_206, %sub3A_226 : i32
      %select_n3A_228 = arith.select %and3A_225, %sub3A_227, %div3A_206 : i32
      %mul3A_229 = arith.constant 64 : i32
      %mul3A_230 = arith.muli %select_n3A_228, %mul3A_229 : i32
      %dma_wait3A_231 = tpu.memref_slice %arg3[%mul3A_230] : memref<12800xf32, #tpu.memory_space<hbm>> -> memref<64xf32, #tpu.memory_space<hbm>>
      %dma_wait3A_232 = tpu.memref_slice %arg3[%mul3A_230] : memref<12800xf32, #tpu.memory_space<hbm>> -> memref<64xf32, #tpu.memory_space<hbm>>
      tpu.wait_dma2 semaphore(%arg18 : memref<!tpu.dma_semaphore, #tpu.memory_space<semaphore_mem>>) src(%dma_wait3A_232 : memref<64xf32, #tpu.memory_space<hbm>>) dst(%arg16 : memref<64xf32, #tpu.memory_space<vmem>>)
      %ge3A = arith.constant 2 : i32
      %ge3A_233 = arith.cmpi sge, %add3A_191, %ge3A : i32
      %convert_element_type3A = arith.extui %ge3A_233 : i1 to i32
      %cond3A = arith.constant 0 : i32
      %cond3A_234 = arith.cmpi ne, %convert_element_type3A, %cond3A : i32
      scf.if %cond3A_234 {
        %add3A_429 = arith.addi %mul3A_2, %add3A_191 : i32
        %jit3A_430 = arith.constant 16 : i32
        %div3A_431 = arith.divsi %add3A_429, %jit3A_430 : i32
        %sign3A_432 = arith.constant 0 : i32
        %sign3A_433 = arith.cmpi sgt, %add3A_429, %sign3A_432 : i32
        %sign3A_434 = arith.extui %sign3A_433 : i1 to i32
        %sign3A_435 = arith.constant 0 : i32
        %sign3A_436 = arith.cmpi slt, %add3A_429, %sign3A_435 : i32
        %sign3A_437 = arith.extui %sign3A_436 : i1 to i32
        %sign3A_438 = arith.subi %sign3A_434, %sign3A_437 : i32
        %sign3A_439 = arith.constant 0 : i32
        %sign3A_440 = arith.cmpi sgt, %jit3A_430, %sign3A_439 : i32
        %sign3A_441 = arith.extui %sign3A_440 : i1 to i32
        %sign3A_442 = arith.constant 0 : i32
        %sign3A_443 = arith.cmpi slt, %jit3A_430, %sign3A_442 : i32
        %sign3A_444 = arith.extui %sign3A_443 : i1 to i32
        %sign3A_445 = arith.subi %sign3A_441, %sign3A_444 : i32
        %ne3A_446 = arith.cmpi ne, %sign3A_438, %sign3A_445 : i32
        %rem3A_447 = arith.remsi %add3A_429, %jit3A_430 : i32
        %ne3A_448 = arith.constant 0 : i32
        %ne3A_449 = arith.cmpi ne, %rem3A_447, %ne3A_448 : i32
        %and3A_450 = arith.andi %ne3A_446, %ne3A_449 : i1
        %sub3A_451 = arith.constant 1 : i32
        %sub3A_452 = arith.subi %div3A_431, %sub3A_451 : i32
        %select_n3A_453 = arith.select %and3A_450, %sub3A_452, %div3A_431 : i32
        %jit3A_454 = arith.constant 16 : i32
        %eq3A_455 = arith.constant 0 : i32
        %eq3A_456 = arith.cmpi eq, %jit3A_454, %eq3A_455 : i32
        %jit3A_457 = arith.constant 1 : i32
        %select_n3A_458 = arith.select %eq3A_456, %jit3A_457, %jit3A_454 : i32
        %rem3A_459 = arith.remsi %add3A_429, %select_n3A_458 : i32
        %ne3A_460 = arith.constant 0 : i32
        %ne3A_461 = arith.cmpi ne, %rem3A_459, %ne3A_460 : i32
        %lt3A_462 = arith.constant 0 : i32
        %lt3A_463 = arith.cmpi slt, %rem3A_459, %lt3A_462 : i32
        %lt3A_464 = arith.constant 0 : i32
        %lt3A_465 = arith.cmpi slt, %select_n3A_458, %lt3A_464 : i32
        %ne3A_466 = arith.xori %lt3A_463, %lt3A_465 : i1
        %and3A_467 = arith.andi %ne3A_466, %ne3A_461 : i1
        %add3A_468 = arith.addi %rem3A_459, %select_n3A_458 : i32
        %select_n3A_469 = arith.select %and3A_467, %add3A_468, %rem3A_459 : i32
        %mul3A_470 = arith.constant 256 : i32
        %mul3A_471 = arith.muli %select_n3A_469, %mul3A_470 : i32
        %dma_wait3A_472 = arith.constant 0 : i32
        %dma_wait3A_473 = tpu.memref_slice %arg7[%mul3A_471, %select_n3A_453, %dma_wait3A_472] : memref<4096x200x64xf32, #tpu.memory_space<hbm>> -> memref<256x1x64xf32, #tpu.memory_space<hbm>>
        %dma_wait3A_474 = tpu.memref_squeeze %dma_wait3A_473 : memref<256x1x64xf32, #tpu.memory_space<hbm>> -> memref<256x64xf32, #tpu.memory_space<hbm>>
        %dma_wait3A_475 = arith.constant 0 : i32
        %dma_wait3A_476 = tpu.memref_slice %arg7[%mul3A_471, %select_n3A_453, %dma_wait3A_475] : memref<4096x200x64xf32, #tpu.memory_space<hbm>> -> memref<256x1x64xf32, #tpu.memory_space<hbm>>
        %dma_wait3A_477 = tpu.memref_squeeze %dma_wait3A_476 : memref<256x1x64xf32, #tpu.memory_space<hbm>> -> memref<256x64xf32, #tpu.memory_space<hbm>>
        tpu.wait_dma2 semaphore(%arg20 : memref<!tpu.dma_semaphore, #tpu.memory_space<semaphore_mem>>) src(%arg14 : memref<256x64xf32, #tpu.memory_space<vmem>>) dst(%dma_wait3A_477 : memref<256x64xf32, #tpu.memory_space<hbm>>)
      } else {
      }
      %get3A_235 = arith.constant 0 : index
      %get3A_236 = tpu.vector_load %arg16[%get3A_235] {strides = array<i32>} : memref<64xf32, #tpu.memory_space<vmem>>, vector<16xf32>,
      %get3A_237 = vector.shape_cast %get3A_236 : vector<16xf32> to vector<16xf32>
      %get3A_238 = arith.constant 16 : index
      %get3A_239 = tpu.vector_load %arg16[%get3A_238] {strides = array<i32>} : memref<64xf32, #tpu.memory_space<vmem>>, vector<16xf32>,
      %get3A_240 = vector.shape_cast %get3A_239 : vector<16xf32> to vector<16xf32>
      %get3A_241 = arith.constant 32 : index
      %get3A_242 = tpu.vector_load %arg16[%get3A_241] {strides = array<i32>} : memref<64xf32, #tpu.memory_space<vmem>>, vector<16xf32>,
      %get3A_243 = vector.shape_cast %get3A_242 : vector<16xf32> to vector<16xf32>
      %get3A_244 = arith.constant 48 : index
      %get3A_245 = tpu.vector_load %arg16[%get3A_244] {strides = array<i32>} : memref<64xf32, #tpu.memory_space<vmem>>, vector<16xf32>,
      %get3A_246 = vector.shape_cast %get3A_245 : vector<16xf32> to vector<16xf32>
      %scan3A_247 = arith.constant 0 : i32
      %scan3A_248 = arith.constant 256 : i32
      %scan3A_249 = arith.addi %scan3A_247, %scan3A_248 : i32
      %scan3A_250 = arith.constant 1 : i32
      scf.for %scan3A_429 = %scan3A_247 to %scan3A_249 step %scan3A_250  : i32 {
        %mul3A_430 = arith.constant 1 : i32
        %mul3A_431 = arith.muli %scan3A_429, %mul3A_430 : i32
        %add3A_432 = arith.constant 0 : i32
        %add3A_433 = arith.addi %add3A_432, %mul3A_431 : i32
        %get3A_434 = arith.index_cast %add3A_433 : i32 to index
        %get3A_435 = arith.constant 0 : index
        %get3A_436 = tpu.vector_load %arg10[%get3A_434, %get3A_435] {strides = array<i32>} : memref<256x64xf32, #tpu.memory_space<vmem>>, vector<1x16xf32>,
        %get3A_437 = vector.shape_cast %get3A_436 : vector<1x16xf32> to vector<16xf32>
        %get3A_438 = arith.index_cast %add3A_433 : i32 to index
        %get3A_439 = arith.constant 0 : index
        %get3A_440 = tpu.vector_load %arg12[%get3A_438, %get3A_439] {strides = array<i32>} : memref<256x64xf32, #tpu.memory_space<vmem>>, vector<1x16xf32>,
        %get3A_441 = vector.shape_cast %get3A_440 : vector<1x16xf32> to vector<16xf32>
        %mul3A_442 = arith.mulf %get3A_4, %get3A_441 : vector<16xf32>
        %add3A_443 = arith.addf %get3A_437, %mul3A_442 : vector<16xf32>
        %add3A_444 = arith.addf %add3A_443, %get3A_237 : vector<16xf32>
        %swap3A = arith.index_cast %add3A_433 : i32 to index
        %swap3A_445 = arith.constant 0 : index
        %swap3A_446 = tpu.vector_load %arg14[%swap3A, %swap3A_445] {strides = array<i32>} : memref<256x64xf32, #tpu.memory_space<vmem>>, vector<1x16xf32>,
        %swap3A_447 = vector.shape_cast %swap3A_446 : vector<1x16xf32> to vector<16xf32>
        %swap3A_448 = vector.shape_cast %add3A_444 : vector<16xf32> to vector<1x16xf32>
        tpu.vector_store %arg14[%swap3A, %swap3A_445], %swap3A_448 {strides = array<i32>} : memref<256x64xf32, #tpu.memory_space<vmem>>, vector<1x16xf32>,
        %get3A_449 = arith.index_cast %add3A_433 : i32 to index
        %get3A_450 = arith.constant 16 : index
        %get3A_451 = tpu.vector_load %arg10[%get3A_449, %get3A_450] {strides = array<i32>} : memref<256x64xf32, #tpu.memory_space<vmem>>, vector<1x16xf32>,
        %get3A_452 = vector.shape_cast %get3A_451 : vector<1x16xf32> to vector<16xf32>
        %get3A_453 = arith.index_cast %add3A_433 : i32 to index
        %get3A_454 = arith.constant 16 : index
        %get3A_455 = tpu.vector_load %arg12[%get3A_453, %get3A_454] {strides = array<i32>} : memref<256x64xf32, #tpu.memory_space<vmem>>, vector<1x16xf32>,
        %get3A_456 = vector.shape_cast %get3A_455 : vector<1x16xf32> to vector<16xf32>
        %mul3A_457 = arith.mulf %get3A_4, %get3A_456 : vector<16xf32>
        %add3A_458 = arith.addf %get3A_452, %mul3A_457 : vector<16xf32>
        %add3A_459 = arith.addf %add3A_458, %get3A_240 : vector<16xf32>
        %swap3A_460 = arith.index_cast %add3A_433 : i32 to index
        %swap3A_461 = arith.constant 16 : index
        %swap3A_462 = tpu.vector_load %arg14[%swap3A_460, %swap3A_461] {strides = array<i32>} : memref<256x64xf32, #tpu.memory_space<vmem>>, vector<1x16xf32>,
        %swap3A_463 = vector.shape_cast %swap3A_462 : vector<1x16xf32> to vector<16xf32>
        %swap3A_464 = vector.shape_cast %add3A_459 : vector<16xf32> to vector<1x16xf32>
        tpu.vector_store %arg14[%swap3A_460, %swap3A_461], %swap3A_464 {strides = array<i32>} : memref<256x64xf32, #tpu.memory_space<vmem>>, vector<1x16xf32>,
        %get3A_465 = arith.index_cast %add3A_433 : i32 to index
        %get3A_466 = arith.constant 32 : index
        %get3A_467 = tpu.vector_load %arg10[%get3A_465, %get3A_466] {strides = array<i32>} : memref<256x64xf32, #tpu.memory_space<vmem>>, vector<1x16xf32>,
        %get3A_468 = vector.shape_cast %get3A_467 : vector<1x16xf32> to vector<16xf32>
        %get3A_469 = arith.index_cast %add3A_433 : i32 to index
        %get3A_470 = arith.constant 32 : index
        %get3A_471 = tpu.vector_load %arg12[%get3A_469, %get3A_470] {strides = array<i32>} : memref<256x64xf32, #tpu.memory_space<vmem>>, vector<1x16xf32>,
        %get3A_472 = vector.shape_cast %get3A_471 : vector<1x16xf32> to vector<16xf32>
        %mul3A_473 = arith.mulf %get3A_4, %get3A_472 : vector<16xf32>
        %add3A_474 = arith.addf %get3A_468, %mul3A_473 : vector<16xf32>
        %add3A_475 = arith.addf %add3A_474, %get3A_243 : vector<16xf32>
        %swap3A_476 = arith.index_cast %add3A_433 : i32 to index
        %swap3A_477 = arith.constant 32 : index
        %swap3A_478 = tpu.vector_load %arg14[%swap3A_476, %swap3A_477] {strides = array<i32>} : memref<256x64xf32, #tpu.memory_space<vmem>>, vector<1x16xf32>,
        %swap3A_479 = vector.shape_cast %swap3A_478 : vector<1x16xf32> to vector<16xf32>
        %swap3A_480 = vector.shape_cast %add3A_475 : vector<16xf32> to vector<1x16xf32>
        tpu.vector_store %arg14[%swap3A_476, %swap3A_477], %swap3A_480 {strides = array<i32>} : memref<256x64xf32, #tpu.memory_space<vmem>>, vector<1x16xf32>,
        %get3A_481 = arith.index_cast %add3A_433 : i32 to index
        %get3A_482 = arith.constant 48 : index
        %get3A_483 = tpu.vector_load %arg10[%get3A_481, %get3A_482] {strides = array<i32>} : memref<256x64xf32, #tpu.memory_space<vmem>>, vector<1x16xf32>,
        %get3A_484 = vector.shape_cast %get3A_483 : vector<1x16xf32> to vector<16xf32>
        %get3A_485 = arith.index_cast %add3A_433 : i32 to index
        %get3A_486 = arith.constant 48 : index
        %get3A_487 = tpu.vector_load %arg12[%get3A_485, %get3A_486] {strides = array<i32>} : memref<256x64xf32, #tpu.memory_space<vmem>>, vector<1x16xf32>,
        %get3A_488 = vector.shape_cast %get3A_487 : vector<1x16xf32> to vector<16xf32>
        %mul3A_489 = arith.mulf %get3A_4, %get3A_488 : vector<16xf32>
        %add3A_490 = arith.addf %get3A_484, %mul3A_489 : vector<16xf32>
        %add3A_491 = arith.addf %add3A_490, %get3A_246 : vector<16xf32>
        %swap3A_492 = arith.index_cast %add3A_433 : i32 to index
        %swap3A_493 = arith.constant 48 : index
        %swap3A_494 = tpu.vector_load %arg14[%swap3A_492, %swap3A_493] {strides = array<i32>} : memref<256x64xf32, #tpu.memory_space<vmem>>, vector<1x16xf32>,
        %swap3A_495 = vector.shape_cast %swap3A_494 : vector<1x16xf32> to vector<16xf32>
        %swap3A_496 = vector.shape_cast %add3A_491 : vector<16xf32> to vector<1x16xf32>
        tpu.vector_store %arg14[%swap3A_492, %swap3A_493], %swap3A_496 {strides = array<i32>} : memref<256x64xf32, #tpu.memory_space<vmem>>, vector<1x16xf32>,
      }
      %scan3A_251 = arith.constant 256 : i32
      %add3A_252 = arith.addi %mul3A_2, %add3A_191 : i32
      %jit3A_253 = arith.constant 16 : i32
      %div3A_254 = arith.divsi %add3A_252, %jit3A_253 : i32
      %sign3A_255 = arith.constant 0 : i32
      %sign3A_256 = arith.cmpi sgt, %add3A_252, %sign3A_255 : i32
      %sign3A_257 = arith.extui %sign3A_256 : i1 to i32
      %sign3A_258 = arith.constant 0 : i32
      %sign3A_259 = arith.cmpi slt, %add3A_252, %sign3A_258 : i32
      %sign3A_260 = arith.extui %sign3A_259 : i1 to i32
      %sign3A_261 = arith.subi %sign3A_257, %sign3A_260 : i32
      %sign3A_262 = arith.constant 0 : i32
      %sign3A_263 = arith.cmpi sgt, %jit3A_253, %sign3A_262 : i32
      %sign3A_264 = arith.extui %sign3A_263 : i1 to i32
      %sign3A_265 = arith.constant 0 : i32
      %sign3A_266 = arith.cmpi slt, %jit3A_253, %sign3A_265 : i32
      %sign3A_267 = arith.extui %sign3A_266 : i1 to i32
      %sign3A_268 = arith.subi %sign3A_264, %sign3A_267 : i32
      %ne3A_269 = arith.cmpi ne, %sign3A_261, %sign3A_268 : i32
      %rem3A_270 = arith.remsi %add3A_252, %jit3A_253 : i32
      %ne3A_271 = arith.constant 0 : i32
      %ne3A_272 = arith.cmpi ne, %rem3A_270, %ne3A_271 : i32
      %and3A_273 = arith.andi %ne3A_269, %ne3A_272 : i1
      %sub3A_274 = arith.constant 1 : i32
      %sub3A_275 = arith.subi %div3A_254, %sub3A_274 : i32
      %select_n3A_276 = arith.select %and3A_273, %sub3A_275, %div3A_254 : i32
      %jit3A_277 = arith.constant 16 : i32
      %eq3A_278 = arith.constant 0 : i32
      %eq3A_279 = arith.cmpi eq, %jit3A_277, %eq3A_278 : i32
      %jit3A_280 = arith.constant 1 : i32
      %select_n3A_281 = arith.select %eq3A_279, %jit3A_280, %jit3A_277 : i32
      %rem3A_282 = arith.remsi %add3A_252, %select_n3A_281 : i32
      %ne3A_283 = arith.constant 0 : i32
      %ne3A_284 = arith.cmpi ne, %rem3A_282, %ne3A_283 : i32
      %lt3A_285 = arith.constant 0 : i32
      %lt3A_286 = arith.cmpi slt, %rem3A_282, %lt3A_285 : i32
      %lt3A_287 = arith.constant 0 : i32
      %lt3A_288 = arith.cmpi slt, %select_n3A_281, %lt3A_287 : i32
      %ne3A_289 = arith.xori %lt3A_286, %lt3A_288 : i1
      %and3A_290 = arith.andi %ne3A_289, %ne3A_284 : i1
      %add3A_291 = arith.addi %rem3A_282, %select_n3A_281 : i32
      %select_n3A_292 = arith.select %and3A_290, %add3A_291, %rem3A_282 : i32
      %mul3A_293 = arith.constant 256 : i32
      %mul3A_294 = arith.muli %select_n3A_292, %mul3A_293 : i32
      %dma_start3A_295 = arith.constant 0 : i32
      %dma_start3A_296 = tpu.memref_slice %arg7[%mul3A_294, %select_n3A_276, %dma_start3A_295] : memref<4096x200x64xf32, #tpu.memory_space<hbm>> -> memref<256x1x64xf32, #tpu.memory_space<hbm>>
      %dma_start3A_297 = tpu.memref_squeeze %dma_start3A_296 : memref<256x1x64xf32, #tpu.memory_space<hbm>> -> memref<256x64xf32, #tpu.memory_space<hbm>>
      %dma_start3A_298 = arith.constant 0 : i32
      %dma_start3A_299 = tpu.memref_slice %arg7[%mul3A_294, %select_n3A_276, %dma_start3A_298] : memref<4096x200x64xf32, #tpu.memory_space<hbm>> -> memref<256x1x64xf32, #tpu.memory_space<hbm>>
      %dma_start3A_300 = tpu.memref_squeeze %dma_start3A_299 : memref<256x1x64xf32, #tpu.memory_space<hbm>> -> memref<256x64xf32, #tpu.memory_space<hbm>>
      tpu.enqueue_dma source(%arg14 : memref<256x64xf32, #tpu.memory_space<vmem>>) target(%dma_start3A_300 : memref<256x64xf32, #tpu.memory_space<hbm>>) target_semaphore(%arg20 : memref<!tpu.dma_semaphore, #tpu.memory_space<semaphore_mem>>)
      %add3A_301 = arith.constant 2 : i32
      %add3A_302 = arith.addi %add3A_191, %add3A_301 : i32
      %lt3A_303 = arith.constant 100 : i32
      %lt3A_304 = arith.cmpi slt, %add3A_302, %lt3A_303 : i32
      %convert_element_type3A_305 = arith.extui %lt3A_304 : i1 to i32
      %cond3A_306 = arith.constant 0 : i32
      %cond3A_307 = arith.cmpi ne, %convert_element_type3A_305, %cond3A_306 : i32
      scf.if %cond3A_307 {
        %add3A_429 = arith.constant 2 : i32
        %add3A_430 = arith.addi %add3A_191, %add3A_429 : i32
        %add3A_431 = arith.addi %mul3A_2, %add3A_430 : i32
        %jit3A_432 = arith.constant 16 : i32
        %div3A_433 = arith.divsi %add3A_431, %jit3A_432 : i32
        %sign3A_434 = arith.constant 0 : i32
        %sign3A_435 = arith.cmpi sgt, %add3A_431, %sign3A_434 : i32
        %sign3A_436 = arith.extui %sign3A_435 : i1 to i32
        %sign3A_437 = arith.constant 0 : i32
        %sign3A_438 = arith.cmpi slt, %add3A_431, %sign3A_437 : i32
        %sign3A_439 = arith.extui %sign3A_438 : i1 to i32
        %sign3A_440 = arith.subi %sign3A_436, %sign3A_439 : i32
        %sign3A_441 = arith.constant 0 : i32
        %sign3A_442 = arith.cmpi sgt, %jit3A_432, %sign3A_441 : i32
        %sign3A_443 = arith.extui %sign3A_442 : i1 to i32
        %sign3A_444 = arith.constant 0 : i32
        %sign3A_445 = arith.cmpi slt, %jit3A_432, %sign3A_444 : i32
        %sign3A_446 = arith.extui %sign3A_445 : i1 to i32
        %sign3A_447 = arith.subi %sign3A_443, %sign3A_446 : i32
        %ne3A_448 = arith.cmpi ne, %sign3A_440, %sign3A_447 : i32
        %rem3A_449 = arith.remsi %add3A_431, %jit3A_432 : i32
        %ne3A_450 = arith.constant 0 : i32
        %ne3A_451 = arith.cmpi ne, %rem3A_449, %ne3A_450 : i32
        %and3A_452 = arith.andi %ne3A_448, %ne3A_451 : i1
        %sub3A_453 = arith.constant 1 : i32
        %sub3A_454 = arith.subi %div3A_433, %sub3A_453 : i32
        %select_n3A_455 = arith.select %and3A_452, %sub3A_454, %div3A_433 : i32
        %dma_start3A_456 = arith.constant 0 : i32
        %dma_start3A_457 = tpu.memref_slice %arg8[%add3A_430, %dma_start3A_456] : memref<100x256xi32, #tpu.memory_space<vmem>> -> memref<1x256xi32, #tpu.memory_space<vmem>>
        %dma_start3A_458 = tpu.memref_squeeze %dma_start3A_457 : memref<1x256xi32, #tpu.memory_space<vmem>> -> memref<256xi32, #tpu.memory_space<vmem>>
        %dma_start3A_459 = arith.constant 0 : i32
        %dma_start3A_460 = arith.constant 0 : i32
        %dma_start3A_461 = tpu.memref_slice %arg5[%dma_start3A_459, %dma_start3A_460] : memref<1000000x64xf32, #tpu.memory_space<hbm>> -> memref<1000000x64xf32, #tpu.memory_space<hbm>>
        tpu.enqueue_indirect_dma source(%dma_start3A_461 : memref<1000000x64xf32, #tpu.memory_space<hbm>>) target(%arg10 : memref<256x64xf32, #tpu.memory_space<vmem>>) offsets(%dma_start3A_458 : memref<256xi32, #tpu.memory_space<vmem>>) semaphore(%arg18 : memref<!tpu.dma_semaphore, #tpu.memory_space<semaphore_mem>>)
        %dma_start3A_462 = arith.constant 0 : i32
        %dma_start3A_463 = tpu.memref_slice %arg8[%add3A_430, %dma_start3A_462] : memref<100x256xi32, #tpu.memory_space<vmem>> -> memref<1x256xi32, #tpu.memory_space<vmem>>
        %dma_start3A_464 = tpu.memref_squeeze %dma_start3A_463 : memref<1x256xi32, #tpu.memory_space<vmem>> -> memref<256xi32, #tpu.memory_space<vmem>>
        %dma_start3A_465 = arith.constant 0 : i32
        %dma_start3A_466 = arith.constant 0 : i32
        %dma_start3A_467 = tpu.memref_slice %arg6[%dma_start3A_465, %dma_start3A_466] : memref<1000000x64xf32, #tpu.memory_space<hbm>> -> memref<1000000x64xf32, #tpu.memory_space<hbm>>
        tpu.enqueue_indirect_dma source(%dma_start3A_467 : memref<1000000x64xf32, #tpu.memory_space<hbm>>) target(%arg12 : memref<256x64xf32, #tpu.memory_space<vmem>>) offsets(%dma_start3A_464 : memref<256xi32, #tpu.memory_space<vmem>>) semaphore(%arg18 : memref<!tpu.dma_semaphore, #tpu.memory_space<semaphore_mem>>)
        %mul3A_468 = arith.constant 64 : i32
        %mul3A_469 = arith.muli %select_n3A_455, %mul3A_468 : i32
        %dma_start3A_470 = tpu.memref_slice %arg3[%mul3A_469] : memref<12800xf32, #tpu.memory_space<hbm>> -> memref<64xf32, #tpu.memory_space<hbm>>
        %dma_start3A_471 = tpu.memref_slice %arg3[%mul3A_469] : memref<12800xf32, #tpu.memory_space<hbm>> -> memref<64xf32, #tpu.memory_space<hbm>>
        tpu.enqueue_dma source(%dma_start3A_471 : memref<64xf32, #tpu.memory_space<hbm>>) target(%arg16 : memref<64xf32, #tpu.memory_space<vmem>>) target_semaphore(%arg18 : memref<!tpu.dma_semaphore, #tpu.memory_space<semaphore_mem>>)
      } else {
      }
      %add3A_308 = arith.constant 1 : i32
      %add3A_309 = arith.addi %add3A_189, %add3A_308 : i32
      %dma_wait3A_310 = arith.constant 0 : i32
      %dma_wait3A_311 = tpu.memref_slice %arg8[%add3A_309, %dma_wait3A_310] : memref<100x256xi32, #tpu.memory_space<vmem>> -> memref<1x256xi32, #tpu.memory_space<vmem>>
      %dma_wait3A_312 = tpu.memref_squeeze %dma_wait3A_311 : memref<1x256xi32, #tpu.memory_space<vmem>> -> memref<256xi32, #tpu.memory_space<vmem>>
      %dma_wait3A_313 = arith.constant 0 : i32
      %dma_wait3A_314 = arith.constant 0 : i32
      %dma_wait3A_315 = tpu.memref_slice %arg5[%dma_wait3A_313, %dma_wait3A_314] : memref<1000000x64xf32, #tpu.memory_space<hbm>> -> memref<1000000x64xf32, #tpu.memory_space<hbm>>
      tpu.wait_indirect_dma semaphore(%arg19 : memref<!tpu.dma_semaphore, #tpu.memory_space<semaphore_mem>>) src(%dma_wait3A_315 : memref<1000000x64xf32, #tpu.memory_space<hbm>>) dst(%arg11 : memref<256x64xf32, #tpu.memory_space<vmem>>)
      %dma_wait3A_316 = arith.constant 0 : i32
      %dma_wait3A_317 = tpu.memref_slice %arg8[%add3A_309, %dma_wait3A_316] : memref<100x256xi32, #tpu.memory_space<vmem>> -> memref<1x256xi32, #tpu.memory_space<vmem>>
      %dma_wait3A_318 = tpu.memref_squeeze %dma_wait3A_317 : memref<1x256xi32, #tpu.memory_space<vmem>> -> memref<256xi32, #tpu.memory_space<vmem>>
      %dma_wait3A_319 = arith.constant 0 : i32
      %dma_wait3A_320 = arith.constant 0 : i32
      %dma_wait3A_321 = tpu.memref_slice %arg6[%dma_wait3A_319, %dma_wait3A_320] : memref<1000000x64xf32, #tpu.memory_space<hbm>> -> memref<1000000x64xf32, #tpu.memory_space<hbm>>
      tpu.wait_indirect_dma semaphore(%arg19 : memref<!tpu.dma_semaphore, #tpu.memory_space<semaphore_mem>>) src(%dma_wait3A_321 : memref<1000000x64xf32, #tpu.memory_space<hbm>>) dst(%arg13 : memref<256x64xf32, #tpu.memory_space<vmem>>)
      %add3A_322 = arith.addi %mul3A_2, %add3A_309 : i32
      %jit3A_323 = arith.constant 16 : i32
      %div3A_324 = arith.divsi %add3A_322, %jit3A_323 : i32
      %sign3A_325 = arith.constant 0 : i32
      %sign3A_326 = arith.cmpi sgt, %add3A_322, %sign3A_325 : i32
      %sign3A_327 = arith.extui %sign3A_326 : i1 to i32
      %sign3A_328 = arith.constant 0 : i32
      %sign3A_329 = arith.cmpi slt, %add3A_322, %sign3A_328 : i32
      %sign3A_330 = arith.extui %sign3A_329 : i1 to i32
      %sign3A_331 = arith.subi %sign3A_327, %sign3A_330 : i32
      %sign3A_332 = arith.constant 0 : i32
      %sign3A_333 = arith.cmpi sgt, %jit3A_323, %sign3A_332 : i32
      %sign3A_334 = arith.extui %sign3A_333 : i1 to i32
      %sign3A_335 = arith.constant 0 : i32
      %sign3A_336 = arith.cmpi slt, %jit3A_323, %sign3A_335 : i32
      %sign3A_337 = arith.extui %sign3A_336 : i1 to i32
      %sign3A_338 = arith.subi %sign3A_334, %sign3A_337 : i32
      %ne3A_339 = arith.cmpi ne, %sign3A_331, %sign3A_338 : i32
      %rem3A_340 = arith.remsi %add3A_322, %jit3A_323 : i32
      %ne3A_341 = arith.constant 0 : i32
      %ne3A_342 = arith.cmpi ne, %rem3A_340, %ne3A_341 : i32
      %and3A_343 = arith.andi %ne3A_339, %ne3A_342 : i1
      %sub3A_344 = arith.constant 1 : i32
      %sub3A_345 = arith.subi %div3A_324, %sub3A_344 : i32
      %select_n3A_346 = arith.select %and3A_343, %sub3A_345, %div3A_324 : i32
      %mul3A_347 = arith.constant 64 : i32
      %mul3A_348 = arith.muli %select_n3A_346, %mul3A_347 : i32
      %dma_wait3A_349 = tpu.memref_slice %arg3[%mul3A_348] : memref<12800xf32, #tpu.memory_space<hbm>> -> memref<64xf32, #tpu.memory_space<hbm>>
      %dma_wait3A_350 = tpu.memref_slice %arg3[%mul3A_348] : memref<12800xf32, #tpu.memory_space<hbm>> -> memref<64xf32, #tpu.memory_space<hbm>>
      tpu.wait_dma2 semaphore(%arg19 : memref<!tpu.dma_semaphore, #tpu.memory_space<semaphore_mem>>) src(%dma_wait3A_350 : memref<64xf32, #tpu.memory_space<hbm>>) dst(%arg17 : memref<64xf32, #tpu.memory_space<vmem>>)
      %ge3A_351 = arith.constant 2 : i32
      %ge3A_352 = arith.cmpi sge, %add3A_309, %ge3A_351 : i32
      %convert_element_type3A_353 = arith.extui %ge3A_352 : i1 to i32
      %cond3A_354 = arith.constant 0 : i32
      %cond3A_355 = arith.cmpi ne, %convert_element_type3A_353, %cond3A_354 : i32
      scf.if %cond3A_355 {
        %add3A_429 = arith.addi %mul3A_2, %add3A_309 : i32
        %jit3A_430 = arith.constant 16 : i32
        %div3A_431 = arith.divsi %add3A_429, %jit3A_430 : i32
        %sign3A_432 = arith.constant 0 : i32
        %sign3A_433 = arith.cmpi sgt, %add3A_429, %sign3A_432 : i32
        %sign3A_434 = arith.extui %sign3A_433 : i1 to i32
        %sign3A_435 = arith.constant 0 : i32
        %sign3A_436 = arith.cmpi slt, %add3A_429, %sign3A_435 : i32
        %sign3A_437 = arith.extui %sign3A_436 : i1 to i32
        %sign3A_438 = arith.subi %sign3A_434, %sign3A_437 : i32
        %sign3A_439 = arith.constant 0 : i32
        %sign3A_440 = arith.cmpi sgt, %jit3A_430, %sign3A_439 : i32
        %sign3A_441 = arith.extui %sign3A_440 : i1 to i32
        %sign3A_442 = arith.constant 0 : i32
        %sign3A_443 = arith.cmpi slt, %jit3A_430, %sign3A_442 : i32
        %sign3A_444 = arith.extui %sign3A_443 : i1 to i32
        %sign3A_445 = arith.subi %sign3A_441, %sign3A_444 : i32
        %ne3A_446 = arith.cmpi ne, %sign3A_438, %sign3A_445 : i32
        %rem3A_447 = arith.remsi %add3A_429, %jit3A_430 : i32
        %ne3A_448 = arith.constant 0 : i32
        %ne3A_449 = arith.cmpi ne, %rem3A_447, %ne3A_448 : i32
        %and3A_450 = arith.andi %ne3A_446, %ne3A_449 : i1
        %sub3A_451 = arith.constant 1 : i32
        %sub3A_452 = arith.subi %div3A_431, %sub3A_451 : i32
        %select_n3A_453 = arith.select %and3A_450, %sub3A_452, %div3A_431 : i32
        %jit3A_454 = arith.constant 16 : i32
        %eq3A_455 = arith.constant 0 : i32
        %eq3A_456 = arith.cmpi eq, %jit3A_454, %eq3A_455 : i32
        %jit3A_457 = arith.constant 1 : i32
        %select_n3A_458 = arith.select %eq3A_456, %jit3A_457, %jit3A_454 : i32
        %rem3A_459 = arith.remsi %add3A_429, %select_n3A_458 : i32
        %ne3A_460 = arith.constant 0 : i32
        %ne3A_461 = arith.cmpi ne, %rem3A_459, %ne3A_460 : i32
        %lt3A_462 = arith.constant 0 : i32
        %lt3A_463 = arith.cmpi slt, %rem3A_459, %lt3A_462 : i32
        %lt3A_464 = arith.constant 0 : i32
        %lt3A_465 = arith.cmpi slt, %select_n3A_458, %lt3A_464 : i32
        %ne3A_466 = arith.xori %lt3A_463, %lt3A_465 : i1
        %and3A_467 = arith.andi %ne3A_466, %ne3A_461 : i1
        %add3A_468 = arith.addi %rem3A_459, %select_n3A_458 : i32
        %select_n3A_469 = arith.select %and3A_467, %add3A_468, %rem3A_459 : i32
        %mul3A_470 = arith.constant 256 : i32
        %mul3A_471 = arith.muli %select_n3A_469, %mul3A_470 : i32
        %dma_wait3A_472 = arith.constant 0 : i32
        %dma_wait3A_473 = tpu.memref_slice %arg7[%mul3A_471, %select_n3A_453, %dma_wait3A_472] : memref<4096x200x64xf32, #tpu.memory_space<hbm>> -> memref<256x1x64xf32, #tpu.memory_space<hbm>>
        %dma_wait3A_474 = tpu.memref_squeeze %dma_wait3A_473 : memref<256x1x64xf32, #tpu.memory_space<hbm>> -> memref<256x64xf32, #tpu.memory_space<hbm>>
        %dma_wait3A_475 = arith.constant 0 : i32
        %dma_wait3A_476 = tpu.memref_slice %arg7[%mul3A_471, %select_n3A_453, %dma_wait3A_475] : memref<4096x200x64xf32, #tpu.memory_space<hbm>> -> memref<256x1x64xf32, #tpu.memory_space<hbm>>
        %dma_wait3A_477 = tpu.memref_squeeze %dma_wait3A_476 : memref<256x1x64xf32, #tpu.memory_space<hbm>> -> memref<256x64xf32, #tpu.memory_space<hbm>>
        tpu.wait_dma2 semaphore(%arg21 : memref<!tpu.dma_semaphore, #tpu.memory_space<semaphore_mem>>) src(%arg15 : memref<256x64xf32, #tpu.memory_space<vmem>>) dst(%dma_wait3A_477 : memref<256x64xf32, #tpu.memory_space<hbm>>)
      } else {
      }
      %get3A_356 = arith.constant 0 : index
      %get3A_357 = tpu.vector_load %arg17[%get3A_356] {strides = array<i32>} : memref<64xf32, #tpu.memory_space<vmem>>, vector<16xf32>,
      %get3A_358 = vector.shape_cast %get3A_357 : vector<16xf32> to vector<16xf32>
      %get3A_359 = arith.constant 16 : index
      %get3A_360 = tpu.vector_load %arg17[%get3A_359] {strides = array<i32>} : memref<64xf32, #tpu.memory_space<vmem>>, vector<16xf32>,
      %get3A_361 = vector.shape_cast %get3A_360 : vector<16xf32> to vector<16xf32>
      %get3A_362 = arith.constant 32 : index
      %get3A_363 = tpu.vector_load %arg17[%get3A_362] {strides = array<i32>} : memref<64xf32, #tpu.memory_space<vmem>>, vector<16xf32>,
      %get3A_364 = vector.shape_cast %get3A_363 : vector<16xf32> to vector<16xf32>
      %get3A_365 = arith.constant 48 : index
      %get3A_366 = tpu.vector_load %arg17[%get3A_365] {strides = array<i32>} : memref<64xf32, #tpu.memory_space<vmem>>, vector<16xf32>,
      %get3A_367 = vector.shape_cast %get3A_366 : vector<16xf32> to vector<16xf32>
      %scan3A_368 = arith.constant 0 : i32
      %scan3A_369 = arith.constant 256 : i32
      %scan3A_370 = arith.addi %scan3A_368, %scan3A_369 : i32
      %scan3A_371 = arith.constant 1 : i32
      scf.for %scan3A_429 = %scan3A_368 to %scan3A_370 step %scan3A_371  : i32 {
        %mul3A_430 = arith.constant 1 : i32
        %mul3A_431 = arith.muli %scan3A_429, %mul3A_430 : i32
        %add3A_432 = arith.constant 0 : i32
        %add3A_433 = arith.addi %add3A_432, %mul3A_431 : i32
        %get3A_434 = arith.index_cast %add3A_433 : i32 to index
        %get3A_435 = arith.constant 0 : index
        %get3A_436 = tpu.vector_load %arg11[%get3A_434, %get3A_435] {strides = array<i32>} : memref<256x64xf32, #tpu.memory_space<vmem>>, vector<1x16xf32>,
        %get3A_437 = vector.shape_cast %get3A_436 : vector<1x16xf32> to vector<16xf32>
        %get3A_438 = arith.index_cast %add3A_433 : i32 to index
        %get3A_439 = arith.constant 0 : index
        %get3A_440 = tpu.vector_load %arg13[%get3A_438, %get3A_439] {strides = array<i32>} : memref<256x64xf32, #tpu.memory_space<vmem>>, vector<1x16xf32>,
        %get3A_441 = vector.shape_cast %get3A_440 : vector<1x16xf32> to vector<16xf32>
        %mul3A_442 = arith.mulf %get3A_4, %get3A_441 : vector<16xf32>
        %add3A_443 = arith.addf %get3A_437, %mul3A_442 : vector<16xf32>
        %add3A_444 = arith.addf %add3A_443, %get3A_358 : vector<16xf32>
        %swap3A = arith.index_cast %add3A_433 : i32 to index
        %swap3A_445 = arith.constant 0 : index
        %swap3A_446 = tpu.vector_load %arg15[%swap3A, %swap3A_445] {strides = array<i32>} : memref<256x64xf32, #tpu.memory_space<vmem>>, vector<1x16xf32>,
        %swap3A_447 = vector.shape_cast %swap3A_446 : vector<1x16xf32> to vector<16xf32>
        %swap3A_448 = vector.shape_cast %add3A_444 : vector<16xf32> to vector<1x16xf32>
        tpu.vector_store %arg15[%swap3A, %swap3A_445], %swap3A_448 {strides = array<i32>} : memref<256x64xf32, #tpu.memory_space<vmem>>, vector<1x16xf32>,
        %get3A_449 = arith.index_cast %add3A_433 : i32 to index
        %get3A_450 = arith.constant 16 : index
        %get3A_451 = tpu.vector_load %arg11[%get3A_449, %get3A_450] {strides = array<i32>} : memref<256x64xf32, #tpu.memory_space<vmem>>, vector<1x16xf32>,
        %get3A_452 = vector.shape_cast %get3A_451 : vector<1x16xf32> to vector<16xf32>
        %get3A_453 = arith.index_cast %add3A_433 : i32 to index
        %get3A_454 = arith.constant 16 : index
        %get3A_455 = tpu.vector_load %arg13[%get3A_453, %get3A_454] {strides = array<i32>} : memref<256x64xf32, #tpu.memory_space<vmem>>, vector<1x16xf32>,
        %get3A_456 = vector.shape_cast %get3A_455 : vector<1x16xf32> to vector<16xf32>
        %mul3A_457 = arith.mulf %get3A_4, %get3A_456 : vector<16xf32>
        %add3A_458 = arith.addf %get3A_452, %mul3A_457 : vector<16xf32>
        %add3A_459 = arith.addf %add3A_458, %get3A_361 : vector<16xf32>
        %swap3A_460 = arith.index_cast %add3A_433 : i32 to index
        %swap3A_461 = arith.constant 16 : index
        %swap3A_462 = tpu.vector_load %arg15[%swap3A_460, %swap3A_461] {strides = array<i32>} : memref<256x64xf32, #tpu.memory_space<vmem>>, vector<1x16xf32>,
        %swap3A_463 = vector.shape_cast %swap3A_462 : vector<1x16xf32> to vector<16xf32>
        %swap3A_464 = vector.shape_cast %add3A_459 : vector<16xf32> to vector<1x16xf32>
        tpu.vector_store %arg15[%swap3A_460, %swap3A_461], %swap3A_464 {strides = array<i32>} : memref<256x64xf32, #tpu.memory_space<vmem>>, vector<1x16xf32>,
        %get3A_465 = arith.index_cast %add3A_433 : i32 to index
        %get3A_466 = arith.constant 32 : index
        %get3A_467 = tpu.vector_load %arg11[%get3A_465, %get3A_466] {strides = array<i32>} : memref<256x64xf32, #tpu.memory_space<vmem>>, vector<1x16xf32>,
        %get3A_468 = vector.shape_cast %get3A_467 : vector<1x16xf32> to vector<16xf32>
        %get3A_469 = arith.index_cast %add3A_433 : i32 to index
        %get3A_470 = arith.constant 32 : index
        %get3A_471 = tpu.vector_load %arg13[%get3A_469, %get3A_470] {strides = array<i32>} : memref<256x64xf32, #tpu.memory_space<vmem>>, vector<1x16xf32>,
        %get3A_472 = vector.shape_cast %get3A_471 : vector<1x16xf32> to vector<16xf32>
        %mul3A_473 = arith.mulf %get3A_4, %get3A_472 : vector<16xf32>
        %add3A_474 = arith.addf %get3A_468, %mul3A_473 : vector<16xf32>
        %add3A_475 = arith.addf %add3A_474, %get3A_364 : vector<16xf32>
        %swap3A_476 = arith.index_cast %add3A_433 : i32 to index
        %swap3A_477 = arith.constant 32 : index
        %swap3A_478 = tpu.vector_load %arg15[%swap3A_476, %swap3A_477] {strides = array<i32>} : memref<256x64xf32, #tpu.memory_space<vmem>>, vector<1x16xf32>,
        %swap3A_479 = vector.shape_cast %swap3A_478 : vector<1x16xf32> to vector<16xf32>
        %swap3A_480 = vector.shape_cast %add3A_475 : vector<16xf32> to vector<1x16xf32>
        tpu.vector_store %arg15[%swap3A_476, %swap3A_477], %swap3A_480 {strides = array<i32>} : memref<256x64xf32, #tpu.memory_space<vmem>>, vector<1x16xf32>,
        %get3A_481 = arith.index_cast %add3A_433 : i32 to index
        %get3A_482 = arith.constant 48 : index
        %get3A_483 = tpu.vector_load %arg11[%get3A_481, %get3A_482] {strides = array<i32>} : memref<256x64xf32, #tpu.memory_space<vmem>>, vector<1x16xf32>,
        %get3A_484 = vector.shape_cast %get3A_483 : vector<1x16xf32> to vector<16xf32>
        %get3A_485 = arith.index_cast %add3A_433 : i32 to index
        %get3A_486 = arith.constant 48 : index
        %get3A_487 = tpu.vector_load %arg13[%get3A_485, %get3A_486] {strides = array<i32>} : memref<256x64xf32, #tpu.memory_space<vmem>>, vector<1x16xf32>,
        %get3A_488 = vector.shape_cast %get3A_487 : vector<1x16xf32> to vector<16xf32>
        %mul3A_489 = arith.mulf %get3A_4, %get3A_488 : vector<16xf32>
        %add3A_490 = arith.addf %get3A_484, %mul3A_489 : vector<16xf32>
        %add3A_491 = arith.addf %add3A_490, %get3A_367 : vector<16xf32>
        %swap3A_492 = arith.index_cast %add3A_433 : i32 to index
        %swap3A_493 = arith.constant 48 : index
        %swap3A_494 = tpu.vector_load %arg15[%swap3A_492, %swap3A_493] {strides = array<i32>} : memref<256x64xf32, #tpu.memory_space<vmem>>, vector<1x16xf32>,
        %swap3A_495 = vector.shape_cast %swap3A_494 : vector<1x16xf32> to vector<16xf32>
        %swap3A_496 = vector.shape_cast %add3A_491 : vector<16xf32> to vector<1x16xf32>
        tpu.vector_store %arg15[%swap3A_492, %swap3A_493], %swap3A_496 {strides = array<i32>} : memref<256x64xf32, #tpu.memory_space<vmem>>, vector<1x16xf32>,
      }
      %scan3A_372 = arith.constant 256 : i32
      %add3A_373 = arith.addi %mul3A_2, %add3A_309 : i32
      %jit3A_374 = arith.constant 16 : i32
      %div3A_375 = arith.divsi %add3A_373, %jit3A_374 : i32
      %sign3A_376 = arith.constant 0 : i32
      %sign3A_377 = arith.cmpi sgt, %add3A_373, %sign3A_376 : i32
      %sign3A_378 = arith.extui %sign3A_377 : i1 to i32
      %sign3A_379 = arith.constant 0 : i32
      %sign3A_380 = arith.cmpi slt, %add3A_373, %sign3A_379 : i32
      %sign3A_381 = arith.extui %sign3A_380 : i1 to i32
      %sign3A_382 = arith.subi %sign3A_378, %sign3A_381 : i32
      %sign3A_383 = arith.constant 0 : i32
      %sign3A_384 = arith.cmpi sgt, %jit3A_374, %sign3A_383 : i32
      %sign3A_385 = arith.extui %sign3A_384 : i1 to i32
      %sign3A_386 = arith.constant 0 : i32
      %sign3A_387 = arith.cmpi slt, %jit3A_374, %sign3A_386 : i32
      %sign3A_388 = arith.extui %sign3A_387 : i1 to i32
      %sign3A_389 = arith.subi %sign3A_385, %sign3A_388 : i32
      %ne3A_390 = arith.cmpi ne, %sign3A_382, %sign3A_389 : i32
      %rem3A_391 = arith.remsi %add3A_373, %jit3A_374 : i32
      %ne3A_392 = arith.constant 0 : i32
      %ne3A_393 = arith.cmpi ne, %rem3A_391, %ne3A_392 : i32
      %and3A_394 = arith.andi %ne3A_390, %ne3A_393 : i1
      %sub3A_395 = arith.constant 1 : i32
      %sub3A_396 = arith.subi %div3A_375, %sub3A_395 : i32
      %select_n3A_397 = arith.select %and3A_394, %sub3A_396, %div3A_375 : i32
      %jit3A_398 = arith.constant 16 : i32
      %eq3A_399 = arith.constant 0 : i32
      %eq3A_400 = arith.cmpi eq, %jit3A_398, %eq3A_399 : i32
      %jit3A_401 = arith.constant 1 : i32
      %select_n3A_402 = arith.select %eq3A_400, %jit3A_401, %jit3A_398 : i32
      %rem3A_403 = arith.remsi %add3A_373, %select_n3A_402 : i32
      %ne3A_404 = arith.constant 0 : i32
      %ne3A_405 = arith.cmpi ne, %rem3A_403, %ne3A_404 : i32
      %lt3A_406 = arith.constant 0 : i32
      %lt3A_407 = arith.cmpi slt, %rem3A_403, %lt3A_406 : i32
      %lt3A_408 = arith.constant 0 : i32
      %lt3A_409 = arith.cmpi slt, %select_n3A_402, %lt3A_408 : i32
      %ne3A_410 = arith.xori %lt3A_407, %lt3A_409 : i1
      %and3A_411 = arith.andi %ne3A_410, %ne3A_405 : i1
      %add3A_412 = arith.addi %rem3A_403, %select_n3A_402 : i32
      %select_n3A_413 = arith.select %and3A_411, %add3A_412, %rem3A_403 : i32
      %mul3A_414 = arith.constant 256 : i32
      %mul3A_415 = arith.muli %select_n3A_413, %mul3A_414 : i32
      %dma_start3A_416 = arith.constant 0 : i32
      %dma_start3A_417 = tpu.memref_slice %arg7[%mul3A_415, %select_n3A_397, %dma_start3A_416] : memref<4096x200x64xf32, #tpu.memory_space<hbm>> -> memref<256x1x64xf32, #tpu.memory_space<hbm>>
      %dma_start3A_418 = tpu.memref_squeeze %dma_start3A_417 : memref<256x1x64xf32, #tpu.memory_space<hbm>> -> memref<256x64xf32, #tpu.memory_space<hbm>>
      %dma_start3A_419 = arith.constant 0 : i32
      %dma_start3A_420 = tpu.memref_slice %arg7[%mul3A_415, %select_n3A_397, %dma_start3A_419] : memref<4096x200x64xf32, #tpu.memory_space<hbm>> -> memref<256x1x64xf32, #tpu.memory_space<hbm>>
      %dma_start3A_421 = tpu.memref_squeeze %dma_start3A_420 : memref<256x1x64xf32, #tpu.memory_space<hbm>> -> memref<256x64xf32, #tpu.memory_space<hbm>>
      tpu.enqueue_dma source(%arg15 : memref<256x64xf32, #tpu.memory_space<vmem>>) target(%dma_start3A_421 : memref<256x64xf32, #tpu.memory_space<hbm>>) target_semaphore(%arg21 : memref<!tpu.dma_semaphore, #tpu.memory_space<semaphore_mem>>)
      %add3A_422 = arith.constant 2 : i32
      %add3A_423 = arith.addi %add3A_309, %add3A_422 : i32
      %lt3A_424 = arith.constant 100 : i32
      %lt3A_425 = arith.cmpi slt, %add3A_423, %lt3A_424 : i32
      %convert_element_type3A_426 = arith.extui %lt3A_425 : i1 to i32
      %cond3A_427 = arith.constant 0 : i32
      %cond3A_428 = arith.cmpi ne, %convert_element_type3A_426, %cond3A_427 : i32
      scf.if %cond3A_428 {
        %add3A_429 = arith.constant 2 : i32
        %add3A_430 = arith.addi %add3A_309, %add3A_429 : i32
        %add3A_431 = arith.addi %mul3A_2, %add3A_430 : i32
        %jit3A_432 = arith.constant 16 : i32
        %div3A_433 = arith.divsi %add3A_431, %jit3A_432 : i32
        %sign3A_434 = arith.constant 0 : i32
        %sign3A_435 = arith.cmpi sgt, %add3A_431, %sign3A_434 : i32
        %sign3A_436 = arith.extui %sign3A_435 : i1 to i32
        %sign3A_437 = arith.constant 0 : i32
        %sign3A_438 = arith.cmpi slt, %add3A_431, %sign3A_437 : i32
        %sign3A_439 = arith.extui %sign3A_438 : i1 to i32
        %sign3A_440 = arith.subi %sign3A_436, %sign3A_439 : i32
        %sign3A_441 = arith.constant 0 : i32
        %sign3A_442 = arith.cmpi sgt, %jit3A_432, %sign3A_441 : i32
        %sign3A_443 = arith.extui %sign3A_442 : i1 to i32
        %sign3A_444 = arith.constant 0 : i32
        %sign3A_445 = arith.cmpi slt, %jit3A_432, %sign3A_444 : i32
        %sign3A_446 = arith.extui %sign3A_445 : i1 to i32
        %sign3A_447 = arith.subi %sign3A_443, %sign3A_446 : i32
        %ne3A_448 = arith.cmpi ne, %sign3A_440, %sign3A_447 : i32
        %rem3A_449 = arith.remsi %add3A_431, %jit3A_432 : i32
        %ne3A_450 = arith.constant 0 : i32
        %ne3A_451 = arith.cmpi ne, %rem3A_449, %ne3A_450 : i32
        %and3A_452 = arith.andi %ne3A_448, %ne3A_451 : i1
        %sub3A_453 = arith.constant 1 : i32
        %sub3A_454 = arith.subi %div3A_433, %sub3A_453 : i32
        %select_n3A_455 = arith.select %and3A_452, %sub3A_454, %div3A_433 : i32
        %dma_start3A_456 = arith.constant 0 : i32
        %dma_start3A_457 = tpu.memref_slice %arg8[%add3A_430, %dma_start3A_456] : memref<100x256xi32, #tpu.memory_space<vmem>> -> memref<1x256xi32, #tpu.memory_space<vmem>>
        %dma_start3A_458 = tpu.memref_squeeze %dma_start3A_457 : memref<1x256xi32, #tpu.memory_space<vmem>> -> memref<256xi32, #tpu.memory_space<vmem>>
        %dma_start3A_459 = arith.constant 0 : i32
        %dma_start3A_460 = arith.constant 0 : i32
        %dma_start3A_461 = tpu.memref_slice %arg5[%dma_start3A_459, %dma_start3A_460] : memref<1000000x64xf32, #tpu.memory_space<hbm>> -> memref<1000000x64xf32, #tpu.memory_space<hbm>>
        tpu.enqueue_indirect_dma source(%dma_start3A_461 : memref<1000000x64xf32, #tpu.memory_space<hbm>>) target(%arg11 : memref<256x64xf32, #tpu.memory_space<vmem>>) offsets(%dma_start3A_458 : memref<256xi32, #tpu.memory_space<vmem>>) semaphore(%arg19 : memref<!tpu.dma_semaphore, #tpu.memory_space<semaphore_mem>>)
        %dma_start3A_462 = arith.constant 0 : i32
        %dma_start3A_463 = tpu.memref_slice %arg8[%add3A_430, %dma_start3A_462] : memref<100x256xi32, #tpu.memory_space<vmem>> -> memref<1x256xi32, #tpu.memory_space<vmem>>
        %dma_start3A_464 = tpu.memref_squeeze %dma_start3A_463 : memref<1x256xi32, #tpu.memory_space<vmem>> -> memref<256xi32, #tpu.memory_space<vmem>>
        %dma_start3A_465 = arith.constant 0 : i32
        %dma_start3A_466 = arith.constant 0 : i32
        %dma_start3A_467 = tpu.memref_slice %arg6[%dma_start3A_465, %dma_start3A_466] : memref<1000000x64xf32, #tpu.memory_space<hbm>> -> memref<1000000x64xf32, #tpu.memory_space<hbm>>
        tpu.enqueue_indirect_dma source(%dma_start3A_467 : memref<1000000x64xf32, #tpu.memory_space<hbm>>) target(%arg13 : memref<256x64xf32, #tpu.memory_space<vmem>>) offsets(%dma_start3A_464 : memref<256xi32, #tpu.memory_space<vmem>>) semaphore(%arg19 : memref<!tpu.dma_semaphore, #tpu.memory_space<semaphore_mem>>)
        %mul3A_468 = arith.constant 64 : i32
        %mul3A_469 = arith.muli %select_n3A_455, %mul3A_468 : i32
        %dma_start3A_470 = tpu.memref_slice %arg3[%mul3A_469] : memref<12800xf32, #tpu.memory_space<hbm>> -> memref<64xf32, #tpu.memory_space<hbm>>
        %dma_start3A_471 = tpu.memref_slice %arg3[%mul3A_469] : memref<12800xf32, #tpu.memory_space<hbm>> -> memref<64xf32, #tpu.memory_space<hbm>>
        tpu.enqueue_dma source(%dma_start3A_471 : memref<64xf32, #tpu.memory_space<hbm>>) target(%arg17 : memref<64xf32, #tpu.memory_space<vmem>>) target_semaphore(%arg19 : memref<!tpu.dma_semaphore, #tpu.memory_space<semaphore_mem>>)
      } else {
      }
    }
    %scan3A_87 = arith.constant 50 : i32
    %add3A_88 = arith.constant 98 : i32
    %add3A_89 = arith.addi %mul3A_2, %add3A_88 : i32
    %jit3A_90 = arith.constant 16 : i32
    %div3A_91 = arith.divsi %add3A_89, %jit3A_90 : i32
    %sign3A_92 = arith.constant 0 : i32
    %sign3A_93 = arith.cmpi sgt, %add3A_89, %sign3A_92 : i32
    %sign3A_94 = arith.extui %sign3A_93 : i1 to i32
    %sign3A_95 = arith.constant 0 : i32
    %sign3A_96 = arith.cmpi slt, %add3A_89, %sign3A_95 : i32
    %sign3A_97 = arith.extui %sign3A_96 : i1 to i32
    %sign3A_98 = arith.subi %sign3A_94, %sign3A_97 : i32
    %sign3A_99 = arith.constant 0 : i32
    %sign3A_100 = arith.cmpi sgt, %jit3A_90, %sign3A_99 : i32
    %sign3A_101 = arith.extui %sign3A_100 : i1 to i32
    %sign3A_102 = arith.constant 0 : i32
    %sign3A_103 = arith.cmpi slt, %jit3A_90, %sign3A_102 : i32
    %sign3A_104 = arith.extui %sign3A_103 : i1 to i32
    %sign3A_105 = arith.subi %sign3A_101, %sign3A_104 : i32
    %ne3A_106 = arith.cmpi ne, %sign3A_98, %sign3A_105 : i32
    %rem3A_107 = arith.remsi %add3A_89, %jit3A_90 : i32
    %ne3A_108 = arith.constant 0 : i32
    %ne3A_109 = arith.cmpi ne, %rem3A_107, %ne3A_108 : i32
    %and3A_110 = arith.andi %ne3A_106, %ne3A_109 : i1
    %sub3A_111 = arith.constant 1 : i32
    %sub3A_112 = arith.subi %div3A_91, %sub3A_111 : i32
    %select_n3A_113 = arith.select %and3A_110, %sub3A_112, %div3A_91 : i32
    %jit3A_114 = arith.constant 16 : i32
    %eq3A = arith.constant 0 : i32
    %eq3A_115 = arith.cmpi eq, %jit3A_114, %eq3A : i32
    %jit3A_116 = arith.constant 1 : i32
    %select_n3A_117 = arith.select %eq3A_115, %jit3A_116, %jit3A_114 : i32
    %rem3A_118 = arith.remsi %add3A_89, %select_n3A_117 : i32
    %ne3A_119 = arith.constant 0 : i32
    %ne3A_120 = arith.cmpi ne, %rem3A_118, %ne3A_119 : i32
    %lt3A = arith.constant 0 : i32
    %lt3A_121 = arith.cmpi slt, %rem3A_118, %lt3A : i32
    %lt3A_122 = arith.constant 0 : i32
    %lt3A_123 = arith.cmpi slt, %select_n3A_117, %lt3A_122 : i32
    %ne3A_124 = arith.xori %lt3A_121, %lt3A_123 : i1
    %and3A_125 = arith.andi %ne3A_124, %ne3A_120 : i1
    %add3A_126 = arith.addi %rem3A_118, %select_n3A_117 : i32
    %select_n3A_127 = arith.select %and3A_125, %add3A_126, %rem3A_118 : i32
    %mul3A_128 = arith.constant 256 : i32
    %mul3A_129 = arith.muli %select_n3A_127, %mul3A_128 : i32
    %dma_wait3A = arith.constant 0 : i32
    %dma_wait3A_130 = tpu.memref_slice %arg7[%mul3A_129, %select_n3A_113, %dma_wait3A] : memref<4096x200x64xf32, #tpu.memory_space<hbm>> -> memref<256x1x64xf32, #tpu.memory_space<hbm>>
    %dma_wait3A_131 = tpu.memref_squeeze %dma_wait3A_130 : memref<256x1x64xf32, #tpu.memory_space<hbm>> -> memref<256x64xf32, #tpu.memory_space<hbm>>
    %dma_wait3A_132 = arith.constant 0 : i32
    %dma_wait3A_133 = tpu.memref_slice %arg7[%mul3A_129, %select_n3A_113, %dma_wait3A_132] : memref<4096x200x64xf32, #tpu.memory_space<hbm>> -> memref<256x1x64xf32, #tpu.memory_space<hbm>>
    %dma_wait3A_134 = tpu.memref_squeeze %dma_wait3A_133 : memref<256x1x64xf32, #tpu.memory_space<hbm>> -> memref<256x64xf32, #tpu.memory_space<hbm>>
    tpu.wait_dma2 semaphore(%arg20 : memref<!tpu.dma_semaphore, #tpu.memory_space<semaphore_mem>>) src(%arg14 : memref<256x64xf32, #tpu.memory_space<vmem>>) dst(%dma_wait3A_134 : memref<256x64xf32, #tpu.memory_space<hbm>>)
    %add3A_135 = arith.constant 99 : i32
    %add3A_136 = arith.addi %mul3A_2, %add3A_135 : i32
    %jit3A_137 = arith.constant 16 : i32
    %div3A_138 = arith.divsi %add3A_136, %jit3A_137 : i32
    %sign3A_139 = arith.constant 0 : i32
    %sign3A_140 = arith.cmpi sgt, %add3A_136, %sign3A_139 : i32
    %sign3A_141 = arith.extui %sign3A_140 : i1 to i32
    %sign3A_142 = arith.constant 0 : i32
    %sign3A_143 = arith.cmpi slt, %add3A_136, %sign3A_142 : i32
    %sign3A_144 = arith.extui %sign3A_143 : i1 to i32
    %sign3A_145 = arith.subi %sign3A_141, %sign3A_144 : i32
    %sign3A_146 = arith.constant 0 : i32
    %sign3A_147 = arith.cmpi sgt, %jit3A_137, %sign3A_146 : i32
    %sign3A_148 = arith.extui %sign3A_147 : i1 to i32
    %sign3A_149 = arith.constant 0 : i32
    %sign3A_150 = arith.cmpi slt, %jit3A_137, %sign3A_149 : i32
    %sign3A_151 = arith.extui %sign3A_150 : i1 to i32
    %sign3A_152 = arith.subi %sign3A_148, %sign3A_151 : i32
    %ne3A_153 = arith.cmpi ne, %sign3A_145, %sign3A_152 : i32
    %rem3A_154 = arith.remsi %add3A_136, %jit3A_137 : i32
    %ne3A_155 = arith.constant 0 : i32
    %ne3A_156 = arith.cmpi ne, %rem3A_154, %ne3A_155 : i32
    %and3A_157 = arith.andi %ne3A_153, %ne3A_156 : i1
    %sub3A_158 = arith.constant 1 : i32
    %sub3A_159 = arith.subi %div3A_138, %sub3A_158 : i32
    %select_n3A_160 = arith.select %and3A_157, %sub3A_159, %div3A_138 : i32
    %jit3A_161 = arith.constant 16 : i32
    %eq3A_162 = arith.constant 0 : i32
    %eq3A_163 = arith.cmpi eq, %jit3A_161, %eq3A_162 : i32
    %jit3A_164 = arith.constant 1 : i32
    %select_n3A_165 = arith.select %eq3A_163, %jit3A_164, %jit3A_161 : i32
    %rem3A_166 = arith.remsi %add3A_136, %select_n3A_165 : i32
    %ne3A_167 = arith.constant 0 : i32
    %ne3A_168 = arith.cmpi ne, %rem3A_166, %ne3A_167 : i32
    %lt3A_169 = arith.constant 0 : i32
    %lt3A_170 = arith.cmpi slt, %rem3A_166, %lt3A_169 : i32
    %lt3A_171 = arith.constant 0 : i32
    %lt3A_172 = arith.cmpi slt, %select_n3A_165, %lt3A_171 : i32
    %ne3A_173 = arith.xori %lt3A_170, %lt3A_172 : i1
    %and3A_174 = arith.andi %ne3A_173, %ne3A_168 : i1
    %add3A_175 = arith.addi %rem3A_166, %select_n3A_165 : i32
    %select_n3A_176 = arith.select %and3A_174, %add3A_175, %rem3A_166 : i32
    %mul3A_177 = arith.constant 256 : i32
    %mul3A_178 = arith.muli %select_n3A_176, %mul3A_177 : i32
    %dma_wait3A_179 = arith.constant 0 : i32
    %dma_wait3A_180 = tpu.memref_slice %arg7[%mul3A_178, %select_n3A_160, %dma_wait3A_179] : memref<4096x200x64xf32, #tpu.memory_space<hbm>> -> memref<256x1x64xf32, #tpu.memory_space<hbm>>
    %dma_wait3A_181 = tpu.memref_squeeze %dma_wait3A_180 : memref<256x1x64xf32, #tpu.memory_space<hbm>> -> memref<256x64xf32, #tpu.memory_space<hbm>>
    %dma_wait3A_182 = arith.constant 0 : i32
    %dma_wait3A_183 = tpu.memref_slice %arg7[%mul3A_178, %select_n3A_160, %dma_wait3A_182] : memref<4096x200x64xf32, #tpu.memory_space<hbm>> -> memref<256x1x64xf32, #tpu.memory_space<hbm>>
    %dma_wait3A_184 = tpu.memref_squeeze %dma_wait3A_183 : memref<256x1x64xf32, #tpu.memory_space<hbm>> -> memref<256x64xf32, #tpu.memory_space<hbm>>
    tpu.wait_dma2 semaphore(%arg21 : memref<!tpu.dma_semaphore, #tpu.memory_space<semaphore_mem>>) src(%arg15 : memref<256x64xf32, #tpu.memory_space<vmem>>) dst(%dma_wait3A_184 : memref<256x64xf32, #tpu.memory_space<hbm>>)
    return
  }
}

</mosaic_0001>

<sc_bundles>
// kernel: _run.3.cloned.1.call-start
scs
__scs_entry_jumppad:
0x0: {  	(pc) =	sbr.rel $0x88, $3  }
0x1: {  	(tag) =	ssettag $0x0;
	lr =	simm.s32 $0x1  }
0x2: {  	[smem:$0x3F9C] =	sst lr;
	_ =	strace $0xD0000000  }
0x3: {  	_ = 	snop  }
0x4: {  	_ = 	snop  }
0x5: {  	_ = 	snop  }
0x6: {  	_ = 	snop  }
0x7: {  	_ = 	snop  }
__scs_overlays_trampoline_lowered:
0x8: {  	[smem:$0x3FAB] =	sst s0  }
0x9: {  	[smem:$0x3FAC] =	sst s1  }
0xa: {  	[smem:$0x3FAD] =	sst s2  }
0xb: {  	[smem:$0x3FAE] =	sst s3  }
0xc: {  	[smem:$0x3FAF] =	sst s4  }
0xd: {  	[smem:$0x3FB0] =	sst s5  }
0xe: {  	[smem:$0x3FB1] =	sst s6  }
0xf: {  	[smem:$0x3FB2] =	sst s7  }
0x10: {  	[smem:$0x3FB3] =	sst s8  }
0x11: {  	[smem:$0x3FB4] =	sst s9;
	s0 =	simm.s32 @!p0 $0x0  }
0x12: {  	s1 =	sld [smem:$0x3F9A];
	s0 =	simm.s32 @p0 $0x1  }
0x13: {  	[smem:$0x3FB5] =	sst s0;
	s0 =	simm.s32 @!p1 $0x0  }
0x14: {  	s2 =	sld [smem:$0x3F99];
	s0 =	simm.s32 @p1 $0x1  }
0x15: {  	[smem:$0x3FB6] =	sst s0;
	s0 =	simm.s32 @!p2 $0x0  }
0x16: {  	s3 =	sld [smem:$0x3FDB];
	s0 =	simm.s32 @p2 $0x1  }
0x17: {  	s4 =	simm.s32 $0x1BF5;
	[smem:$0x3FB8] =	sst s0  }
0x18: {  	s0 =	sld [smem:$0x3F9B];
	_ =	swait.ge [sflag:s4], $0x0  }
0x19: {  	s7 =	sld [smem:$0x3F9C]  }
0x1a: {  	s8 =	sadd.s32 $0xFFFFE003, lr  }
0x1b: {  	s9 =	sadd.s32 $0xFFFFFEF7, lr;
	s5 =	simm.s32 $0xFFFFFFFF;
	p2 =	slt.u32 s8, $0xFFFFF086  }
0x1c: {  	p1 =	slt.u32 s9, $0xF7A;
	s5 =	simm.s32 @!p2 $0x0  }
0x1d: {  	s5 =	simm.s32 @p1 $0x1;
	p0 =	seq.s32 s7, s2  }
0x1e: {  	s7 =	smul.u32 @!p0 $0xF7A, s2;
	p2 =	seq.s32 @!p0 s5, $0x0  }
0x1f: {  	s9 =	smul.u32 $0xF7A, s1;
	s8 =	simm.s32 @!p0 $0x1BF5;
	p2 =	por !p2, p0  }
0x20: {  	[sflag:s8] =	ssyncset.s32 @!p0 $0xFFFFF086;
	s6 =	sadd.s32 @!p0 s3, s7;
	s7 =	simm.s32 @!p0 $0x108  }
0x21: {  	s3 =	sadd.s32 s3, s9;
	s6 =	sadd.s32 @!p0 $0x88, s6;
	s7 =	simm.s32 @p2 $0x1082  }
0x22: {  	[simem:s7], [sflag:s8] =	dma.local @!p0 [hbm:s6], $0xF7A  }
0x23: {  	s9 =	sor.u32 $0xD0000000, s2;
	s6 =	simm.s32 $0x108;
	_ =	swait.ge @!p0 [sflag:s8], $0x0  }
0x24: {  	s3 =	sadd.s32 $0x88, s3;
	s6 =	simm.s32 @!p1 $0x1082;
	[sflag:s4] =	ssyncset.s32 $0xFFFFF086  }
0x25: {  	[simem:s6], [sflag:s4] =	dma.local [hbm:s3], $0xF7A  }
0x26: {  	[smem:$0x3F9C] =	sst s1;
	(tag) =	ssettag s2;
	_ =	strace s9  }
0x27: {  	s1 =	sld [smem:$0x3FAC]  }
0x28: {  	s2 =	sld [smem:$0x3FAD]  }
0x29: {  	s4 =	sld [smem:$0x3FAF]  }
0x2a: {  	p0 =	seq.s32 s5, $0x0;
	s5 =	sld [smem:$0x3FB0]  }
0x2b: {  	s6 =	sld [smem:$0x3FB1]  }
0x2c: {  	s7 =	sld [smem:$0x3FB2]  }
0x2d: {  	s3 =	simm.s32 $0x108;
	s8 =	sld [smem:$0x3FB3]  }
0x2e: {  	s3 =	simm.s32 @!p0 $0x1082;
	s9 =	sld [smem:$0x3FB4]  }
0x2f: {  	lr =	sadd.s32 s0, s3;
	s0 =	sld [smem:$0x3FAB]  }
0x30: {  	s3 =	sld [smem:$0x3FAE]  }
0x31: {  	[smem:$0x3FB7] =	sst s10  }
0x32: {  	s10 =	sld [smem:$0x3FB5];
	_ =	sdelay $0x3  }
0x33: {  	p0 =	seq.s32 s10, $0x1;
	s10 =	sld [smem:$0x3FB7];
	_ =	sdelay $0x3  }
0x34: {  	[smem:$0x3FB7] =	sst s10  }
0x35: {  	s10 =	sld [smem:$0x3FB6];
	_ =	sdelay $0x3  }
0x36: {  	p1 =	seq.s32 s10, $0x1;
	s10 =	sld [smem:$0x3FB7];
	_ =	sdelay $0x3  }
0x37: {  	[smem:$0x3FB7] =	sst s10  }
0x38: {  	s10 =	sld [smem:$0x3FB8]  }
0x39: {  	_ = 	snop;
	(pc) =	sbr.ind lr, $3  }
0x3a: {  	_ = 	snop  }
0x3b: {  	_ = 	snop  }
0x3c: {  	p2 =	seq.s32 s10, $0x1;
	s10 =	sld [smem:$0x3FB7]  }
0x3d: {  	_ =	shalt  }
0x3e: {  	_ =	shalt  }
0x3f: {  	_ =	shalt  }
0x40: {  	_ =	shalt  }
0x41: {  	_ =	shalt  }
0x42: {  	_ =	shalt  }
0x43: {  	_ =	shalt  }
0x44: {  	_ =	shalt  }
0x45: {  	_ =	shalt  }
0x46: {  	_ =	shalt  }
0x47: {  	_ =	shalt  }
0x48: {  	_ =	shalt  }
0x49: {  	_ =	shalt  }
0x4a: {  	_ =	shalt  }
0x4b: {  	_ =	shalt  }
0x4c: {  	_ =	shalt  }
0x4d: {  	_ =	shalt  }
0x4e: {  	_ =	shalt  }
0x4f: {  	_ =	shalt  }
0x50: {  	_ =	shalt  }
0x51: {  	_ =	shalt  }
0x52: {  	_ =	shalt  }
0x53: {  	_ =	shalt  }
0x54: {  	_ =	shalt  }
0x55: {  	_ =	shalt  }
0x56: {  	_ =	shalt  }
0x57: {  	_ =	shalt  }
0x58: {  	_ =	shalt  }
0x59: {  	_ =	shalt  }
0x5a: {  	_ =	shalt  }
0x5b: {  	_ =	shalt  }
0x5c: {  	_ =	shalt  }
0x5d: {  	_ =	shalt  }
0x5e: {  	_ =	shalt  }
0x5f: {  	_ =	shalt  }
0x60: {  	_ =	shalt  }
0x61: {  	_ =	shalt  }
0x62: {  	_ =	shalt  }
0x63: {  	_ =	shalt  }
0x64: {  	_ =	shalt  }
0x65: {  	_ =	shalt  }
0x66: {  	_ =	shalt  }
0x67: {  	_ =	shalt  }
0x68: {  	_ =	shalt  }
0x69: {  	_ =	shalt  }
0x6a: {  	_ =	shalt  }
0x6b: {  	_ =	shalt  }
0x6c: {  	_ =	shalt  }
0x6d: {  	_ =	shalt  }
0x6e: {  	_ =	shalt  }
0x6f: {  	_ =	shalt  }
0x70: {  	_ =	shalt  }
0x71: {  	_ =	shalt  }
0x72: {  	_ =	shalt  }
0x73: {  	_ =	shalt  }
0x74: {  	_ =	shalt  }
0x75: {  	_ =	shalt  }
0x76: {  	_ =	shalt  }
0x77: {  	_ =	shalt  }
0x78: {  	_ =	shalt  }
0x79: {  	_ =	shalt  }
0x7a: {  	_ =	shalt  }
0x7b: {  	_ =	shalt  }
0x7c: {  	_ =	shalt  }
0x7d: {  	_ =	shalt  }
0x7e: {  	_ =	shalt  }
0x7f: {  	_ =	shalt  }
0x80: {  	_ =	shalt  }
0x81: {  	_ =	shalt  }
0x82: {  	_ =	shalt  }
0x83: {  	_ =	shalt  }
0x84: {  	_ =	shalt  }
0x85: {  	_ =	shalt  }
0x86: {  	_ =	shalt  }
0x87: {  	_ =	shalt  }
.Lfunc_end0:
.L_simem_size_0:
called_computation.1_lowered:
.L_overlay_start_0:
0x88: {  	s2 =	sld [smem:$0x3FD9]  }
0x89: {  	s3 =	sld [smem:$0x3FFE];
	_ =	sdelay $0x1  }
0x8a: {  	s1 =	srdreg.scid  }
0x8b: {  	s0 =	sand.u32 $0x1, s1  }
0x8c: {  	s17 =	sshll.u32 s0, $0xA;
	s2 =	sadd.s32 s3, s2  }
0x8d: {  	s2 =	sadd.s32 s2, s17  }
0x8e: {  	[smem:$0x3FC3] =	sst s2  }
0x8f: {  	_ = 	snop  }
0x90: {  	s2 =	sld [smem:$0x3FC8]  }
0x91: {  	s18 =	sld [smem:$0x3FC7]  }
0x92: {  	s4 =	sld [smem:$0x3FD0];
	(tm) =	ssettm $0x1  }
0x93: {  	s5 =	sld [smem:$0x3FFB];
	_ =	sdelay $0x3  }
0x94: {  	_ =	strace s5  }
0x95: {  	s5 =	sld [smem:$0x3FFC];
	_ =	sdelay $0x3  }
0x96: {  	_ =	strace s5  }
0x97: {  	s5 =	sld [smem:$0x3FFD];
	_ =	sdelay $0x3  }
0x98: {  	_ =	strace s5  }
0x99: {  	_ =	strace $0x8FFFFFFF  }
0x9a: {  	s19 =	sld [smem:$0x3FDB];
	_ =	sdelay $0x1  }
0x9b: {  	s6 =	simm.s32 $_scs_section_size  }
0x9c: {  	s7 =	simm.s32 $_size__tile_overlayer_lowered;
	s8 =	simm.s32 $_tile_overlayer_lowered  }
0x9d: {  	s22 =	simm.s32 $0x1BFF;
	s21 =	sshll.u32 s8, $0x1;
	s5 =	sadd.s32 s6, s19  }
0x9e: {  	s9 =	simm.s32 $0x0;
	s20 =	sshll.u32 s7, $0x1;
	s7 =	sadd.s32 s21, s5  }
0x9f: {  	[timem:s9], [sflag:s22] =	dma.local [hbm:s7], s20  }
0xa0: {  	_ =	swait.ge [sflag:s22], s20  }
0xa1: {  	s6 =	ssub.s32 $0x0, s20;
	[sflag:s22] =	ssyncset.done $0x0  }
0xa2: {  	[sflag:s22] =	ssyncadd.s32 s6;
	_ =	sdelay $0x1  }
0xa3: {  	s23 =	simm.s32 $0x1B8B  }
0xa4: {  	_ =	swait.ge [sflag:s23], $0x1  }
0xa5: {  	[sflag:s23] =	ssyncset.done $0x0  }
0xa6: {  	s25 =	simm.s32 $0x1B8E;
	s24 =	sld [smem:$0x3FFE];
	[sflag:s23] =	ssyncadd.s32 $0xFFFFFFFF  }
0xa7: {  	s26 =	simm.s32 $execute0_lowered;
	[smem:$0x3FD2] =	sst s25  }
0xa8: {  	s7 =	sshll.u32 s26, $0x1;
	_ =	strace $0x80000046;
	[dreg:$0x1] =	wrdreg $0xFFFFFFFF  }
0xa9: {  	s28 =	simm.s32 $_size_execute0_lowered;
	s5 =	sadd.s32 s5, s7;
	[dreg:$0x0] =	wrdreg $0x0  }
0xaa: {  	s7 =	sshll.u32 s28, $0x1;
	[dreg:$0x2] =	wrdreg s5  }
0xab: {  	[dreg:$0x3] =	wrdreg s7  }
0xac: {  	[dreg:$0x4] =	wrdreg $0xC0  }
0xad: {  	_ =	task [dreg:s9], $0x5FFFF  }
0xae: {  	[dreg:$0x1] =	wrdreg $0xFFFFFFFF  }
0xaf: {  	[dreg:$0x0] =	wrdreg $0x60  }
0xb0: {  	[dreg:$0x2] =	wrdreg s24  }
0xb1: {  	[dreg:$0x3] =	wrdreg s2  }
0xb2: {  	[dreg:$0x4] =	wrdreg s18  }
0xb3: {  	[dreg:$0x5] =	wrdreg s4  }
0xb4: {  	[dreg:$0x6] =	wrdreg $0x9  }
0xb5: {  	_ =	task.clear_ibuf [dreg:s9], $0x7FFFF;
	_ =	strace $0x90000046  }
0xb6: {  	s29 =	simm.s32 $0x9;
	_ =	strace $0x80000048  }
0xb7: {  	_ =	swait.ge [sflag:s29], $0x1  }
0xb8: {  	[sflag:s29] =	ssyncadd.s32 $0xFFFFFFFF  }
0xb9: {  	_ =	strace $0x90000048  }
0xba: {  	_ =	sfence  }
0xbb: {  	s30 =	sld [smem:$0x0];
	_ =	sdelay $0x2  }
0xbc: {  	s31 =	sshll.u32 s1, $0xD;
	s1 =	sshrl.u32 s1, $0x2  }
0xbd: {  	s3 =	sand.u32 $0x4000, s31;
	s1 =	sadd.s32 s1, s30  }
0xbe: {  	s0 =	sor.u32 s3, s0;
	s1 =	sshll.u32 s1, $0x11  }
0xbf: {  	s0 =	sor.u32 s1, s0  }
0xc0: {  	s0 =	sadd.s32 $0x8F2B, s0  }
0xc1: {  	[sflag:s0] =	ssyncadd.remote.s32 $0x1  }
0xc2: {  	_ =	sfence.sel $0xFFFF  }
0xc3: {  	[dreg:$0x0] =	wrdreg $0xFFFFFFFF;
	(pc) =	sbr.abs _section_cstart, $3  }
0xc4: {  	[dreg:$0x1] =	wrdreg $0xFFFFFFFF  }
0xc5: {  	_ =	task.clear_ibuf [dreg:s9], $0x2FFFF;
	_ =	strace $0x9FFFFFFF  }
0xc6: {  	(tm) =	ssettm $0x7FFFFFFF  }
0xc7: {  	_ =	shalt  }
tec
execute0_lowered:
.L_overlay_start_1:
0x0: {  	(tag) =	ssettag $0x1  }
0x1: {  	s0 =	rddreg [dreg:$0x0]  }
0x2: {  	s1 =	rddreg [dreg:$0x1]  }
0x3: {  	s2 =	srdreg.scid;
	s3 =	stileid.u32  }
0x4: {  	s4 =	rddreg [dreg:$0x3];
	s5 =	simm.s32 $0x0;
	s12 =	simm.s32 $0x5  }
0x5: {  	s14 =	simm.s32 $0x100;
	s17 =	simm.s32 $0x1E410;
	s18 =	simm.s32 $0xA410  }
0x6: {  	s19 =	simm.s32 $0x12410;
	s20 =	simm.s32 $0x1E450;
	s21 =	simm.s32 $0x1  }
0x7: {  	s22 =	simm.s32 $0x40;
	s2 =	sand.u32 $0x1, s2;
	s3 =	sshll.u32 s3, $0x1  }
0x8: {  	s23 =	simm.s32 $0x3200;
	s24 =	simm.s32 $0x16410;
	s3 =	sor.u32 s2, s3  }
0x9: {  	s28 =	simm.s32 $0x3;
	s29 =	simm.s32 $0x4;
	s7 =	smul.u32 $0xC80, s3  }
0xa: {  	s30 =	simm.s32 $0x0;
	s2 =	ssub.s32 $0x2, s2;
	s6 =	smul.u32 $0x64, s3  }
.Ltmp0:
0xb: {  	[smem:$0x7FF] =	sst s5;
	s9 =	sshrl.u32 s2, $0x1;
	(pc) =	sbr.rel .LBB2_1-.Ltmp0, $4  }
0xc: {  	s8 =	sadd.s32 $0xF42E00, s0;
	_ =	strace $0x80000047;
	s26 =	ssub.s32 s2, s9  }
0xd: {  	s25 =	sadd.s32 s7, s0;
	s7 =	sadd.s32 $0x16E4000, s0;
	s10 =	sshrl.u32 s6, $0x1  }
0xe: {  	s11 =	smax.u32 s26, $0x1;
	s26 =	simm.s32 $0x1A410;
	s31 =	sand.u32 $0x7F8, s10  }
0xf: {  	s9 =	sadd.s32 $0xA00, s25;
	s25 =	simm.s32 $0x2;
	s10 =	sadd.s32 s1, s31  }
.LBB2_8:
0x10: {  	s30 =	sadd.s32 $0x1, s30  }
0x11: {  	_ =	swait.ge [sflag:s28], $0x4000;
	p0 =	sne.s32 s30, s11  }
.Ltmp1:
0x12: {  	[sflag:s28] =	ssyncset.done $0x0;
	(pc) =	sbr.rel @!p0 .LBB2_9-.Ltmp1, $4  }
0x13: {  	[sflag:s28] =	ssyncadd.s32 $0xFFFFC000  }
0x14: {  	_ =	swait.ge [sflag:s29], $0x4000  }
0x15: {  	[sflag:s29] =	ssyncset.done $0x0  }
0x16: {  	[sflag:s29] =	ssyncadd.s32 $0xFFFFC000  }
.LBB2_1:
0x17: {  	[tilespmem:s5], [sflag:$0x5] =	stream.linear.gather [hbm4b:s9+s5], $0x6400, $0x38;
	[tilespmem:$0x1E490] =	vst v63  }
0x18: {  	_ =	swait.ge [sflag:s12], $0x6400  }
0x19: {  	[sflag:s12] =	ssyncset.done $0x0  }
0x1a: {  	[sflag:s12] =	ssyncadd.s32 $0xFFFF9C00  }
0x1b: {  	s2 =	simm.s32 $0x6400;
	s0 =	rddreg [dreg:$0x2]  }
0x1c: {  	[tilespmem:s2], [sflag:$0x5] =	stream.linear.gather [hbm4b:s0+s5], $0x10, $0x38;
	[tilespmem:$0x1E490] =	vst v63  }
0x1d: {  	_ =	swait.ge [sflag:s12], $0x10  }
0x1e: {  	[sflag:s12] =	ssyncset.done $0x0  }
0x1f: {  	s15 =	simm.s32 $0x6410;
	[sflag:s12] =	ssyncadd.s32 $0xFFFFFFF0  }
0x20: {  	v0 =	vld [tilespmem:$0x6400];
	[tilespmem:s15], [sflag:$0x1] =	stream.indirect.gather [hbm4b:s7+s14], $0x40, s5, s14, $0xb8  }
0x21: {  	s16 =	simm.s32 $0xE410  }
0x22: {  	[tilespmem:s16], [sflag:$0x1] =	stream.indirect.gather [hbm4b:s8+s14], $0x40, s5, s14, $0xb8;
	[tilespmem:$0x1E490] =	vst v63  }
0x23: {  	_ = 	snop  }
0x24: {  	[tilespmem:s17], [sflag:$0x1] =	stream.linear.gather [hbm4b:s10+s5], $0x40, $0x38;
	[tilespmem:$0x1E490] =	vst v63  }
0x25: {  	_ = 	snop  }
0x26: {  	[tilespmem:s18], [sflag:$0x2] =	stream.indirect.gather [hbm4b:s7+s14], $0x40, s14, s14, $0xb8;
	[tilespmem:$0x1E490] =	vst v63  }
0x27: {  	_ = 	snop  }
0x28: {  	[tilespmem:s19], [sflag:$0x2] =	stream.indirect.gather [hbm4b:s8+s14], $0x40, s14, s14, $0xb8;
	[tilespmem:$0x1E490] =	vst v63  }
0x29: {  	s31 =	simm.s32 $0x0  }
0x2a: {  	[tilespmem:s20], [sflag:$0x2] =	stream.linear.gather [hbm4b:s10+s5], $0x40, $0x38;
	[tilespmem:$0x1E490] =	vst v63  }
.LBB2_2:
0x2b: {  	_ =	swait.ge [sflag:s21], $0x4000  }
0x2c: {  	[sflag:s21] =	ssyncset.done $0x0  }
0x2d: {  	[sflag:s21] =	ssyncadd.s32 $0xFFFFC000  }
0x2e: {  	_ =	swait.ge [sflag:s21], $0x4000  }
0x2f: {  	[sflag:s21] =	ssyncset.done $0x0  }
0x30: {  	[sflag:s21] =	ssyncadd.s32 $0xFFFFC000  }
0x31: {  	_ =	swait.ge [sflag:s21], $0x40  }
0x32: {  	p0 =	seq.s32 s31, $0x0;
	[sflag:s21] =	ssyncset.done $0x0  }
0x33: {  	s0 =	simm.s32 @!p0 $0x3;
	[sflag:s21] =	ssyncadd.s32 $0xFFFFFFC0  }
0x34: {  	_ =	swait.ge @!p0 [sflag:s0], $0x4000  }
0x35: {  	[sflag:s0] =	ssyncset.done @!p0 $0x0  }
0x36: {  	[sflag:s0] =	ssyncadd.s32 @!p0 $0xFFFFC000  }
0x37: {  	v3 =	vld [tilespmem:$0x1E410]  }
0x38: {  	v2 =	vld [tilespmem:$0x1E420]  }
0x39: {  	v1 =	vld [tilespmem:$0x1E430]  }
0x3a: {  	s13 =	simm.s32 $0x0;
	v4 =	vld [tilespmem:$0x1E440]  }
0x3b: {  	v5 =	vld [tilespmem:s13+$0xE440]  }
0x3c: {  	v6 =	vld [tilespmem:s13+$0xE410]  }
0x3d: {  	v7 =	vld [tilespmem:s13+$0x6440]  }
0x3e: {  	v8 =	vld [tilespmem:s13+$0xE420]  }
0x3f: {  	v9 =	vld [tilespmem:s13+$0xE430]  }
0x40: {  	v10 =	vld [tilespmem:s13+$0x6410];
	v5 =	vmul.f32 v5, v0  }
0x41: {  	v11 =	vld [tilespmem:s13+$0x6420]  }
0x42: {  	s0 =	simm.s32 $0x40;
	v12 =	vld [tilespmem:s13+$0x6430];
	v5 =	vadd.f32 v5, v7  }
0x43: {  	v13 =	vld [tilespmem:s0+$0xE440];
	v7 =	vmul.f32 v6, v0  }
0x44: {  	v14 =	vld [tilespmem:s0+$0xE410];
	v8 =	vmul.f32 v8, v0;
	v5 =	vadd.f32 v5, v4  }
0x45: {  	v15 =	vld [tilespmem:s0+$0x6440];
	v7 =	vadd.f32 v7, v10;
	v10 =	vmul.f32 v9, v0  }
0x46: {  	v6 =	vld [tilespmem:s0+$0xE420];
	v8 =	vadd.f32 v8, v11;
	[tilespmem:s13+$0x16440] =	vst v5  }
0x47: {  	v11 =	vadd.f32 v7, v3;
	v12 =	vadd.f32 v10, v12;
	v5 =	vld [tilespmem:s0+$0xE430]  }
0x48: {  	v13 =	vmul.f32 v13, v0;
	v16 =	vadd.f32 v8, v2;
	v9 =	vld [tilespmem:s0+$0x6410]  }
0x49: {  	s2 =	sshll.u32 s31, $0x1;
	v7 =	vld [tilespmem:s0+$0x6420];
	[tilespmem:s13+$0x16410] =	vst v11;
	v11 =	vadd.f32 v12, v1  }
0x4a: {  	s15 =	simm.s32 $0x80;
	s16 =	simm.s32 $0x300;
	s3 =	sadd.s32 s6, s2;
	v10 =	vmul.f32 v14, v0;
	v12 =	vadd.f32 v13, v15;
	v8 =	vld [tilespmem:s0+$0x6430];
	[tilespmem:s13+$0x16420] =	vst v16  }
.LBB2_3:
0x4b: {  	p1 =	sne.s32 s16, $0xFF00;
	v13 =	vld [tilespmem:s15+$0xE440];
	v14 =	vmul.f32 v6, v0;
	[tilespmem:s13+$0x16430] =	vst v11;
	s13 =	smov.u32 s0;
	s0 =	smov.u32 s15  }
0x4c: {  	v11 =	vld [tilespmem:s0+$0xE410];
	v15 =	vmul.f32 v5, v0;
	v5 =	vadd.f32 v12, v4  }
0x4d: {  	v12 =	vld [tilespmem:s0+$0x6440];
	v9 =	vadd.f32 v10, v9  }
.Ltmp2:
0x4e: {  	v6 =	vld [tilespmem:s0+$0xE420];
	v7 =	vadd.f32 v14, v7;
	[tilespmem:s13+$0x16440] =	vst v5;
	(pc) =	sbr.rel @p1 .LBB2_3-.Ltmp2, $4  }
0x4f: {  	v5 =	vld [tilespmem:s0+$0xE430];
	v14 =	vadd.f32 v9, v3;
	v8 =	vadd.f32 v15, v8  }
0x50: {  	v9 =	vld [tilespmem:s0+$0x6410];
	v13 =	vmul.f32 v13, v0;
	v15 =	vadd.f32 v7, v2  }
0x51: {  	v10 =	vmul.f32 v11, v0;
	v7 =	vld [tilespmem:s0+$0x6420];
	[tilespmem:s13+$0x16410] =	vst v14;
	v11 =	vadd.f32 v8, v1  }
0x52: {  	s15 =	sshra.s32 s16, $0x2;
	s16 =	sadd.s32 $0x100, s16;
	v8 =	vld [tilespmem:s0+$0x6430];
	v12 =	vadd.f32 v13, v12;
	[tilespmem:s13+$0x16420] =	vst v15  }
0x53: {  	v13 =	vld [tilespmem:s15+$0xE440];
	[tilespmem:s13+$0x16430] =	vst v11  }
0x54: {  	v11 =	vld [tilespmem:s15+$0xE410];
	v12 =	vadd.f32 v12, v4  }
0x55: {  	v14 =	vld [tilespmem:s15+$0x6440];
	v9 =	vadd.f32 v10, v9  }
0x56: {  	v15 =	vld [tilespmem:s15+$0xE420];
	[tilespmem:s0+$0x16440] =	vst v12  }
0x57: {  	v10 =	vld [tilespmem:s15+$0xE430];
	v9 =	vadd.f32 v9, v3  }
0x58: {  	v6 =	vmul.f32 v6, v0;
	v12 =	vld [tilespmem:s15+$0x6410]  }
0x59: {  	v5 =	vmul.f32 v5, v0;
	v16 =	vld [tilespmem:s15+$0x6420];
	[tilespmem:s0+$0x16410] =	vst v9  }
0x5a: {  	v6 =	vadd.f32 v6, v7;
	v7 =	vmul.f32 v13, v0;
	v9 =	vld [tilespmem:s15+$0x6430]  }
0x5b: {  	v5 =	vadd.f32 v5, v8;
	v8 =	vmul.f32 v11, v0  }
0x5c: {  	v6 =	vadd.f32 v6, v2;
	v11 =	vmul.f32 v15, v0;
	v7 =	vadd.f32 v7, v14  }
0x5d: {  	s16 =	sshll.u32 s3, $0x8;
	v5 =	vadd.f32 v5, v1;
	v10 =	vmul.f32 v10, v0;
	v8 =	vadd.f32 v8, v12  }
0x5e: {  	s13 =	sand.u32 $0xE00, s16;
	[tilespmem:s0+$0x16420] =	vst v6;
	v4 =	vadd.f32 v7, v4;
	v6 =	vadd.f32 v11, v16  }
0x5f: {  	s16 =	smul.u32 $0x3200, s13;
	s13 =	sshll.u32 s3, $0x2;
	[tilespmem:s0+$0x16430] =	vst v5;
	v3 =	vadd.f32 v8, v3;
	v5 =	vadd.f32 v10, v9  }
0x60: {  	s3 =	sand.u32 $0x7FFFFFC0, s13;
	[tilespmem:s15+$0x16440] =	vst v4;
	v2 =	vadd.f32 v6, v2  }
0x61: {  	s0 =	sadd.s32 s3, s16;
	[tilespmem:s15+$0x16410] =	vst v3;
	v1 =	vadd.f32 v5, v1  }
0x62: {  	s0 =	sshrl.u32 s0, $0x3;
	[tilespmem:s15+$0x16420] =	vst v2  }
0x63: {  	p1 =	seq.s32 s31, $0x31;
	s0 =	sadd.s32 s4, s0;
	[tilespmem:s15+$0x16430] =	vst v1  }
0x64: {  	[hbm4b:s0+s22] =	stream.strided.scatter [tilespmem:s24], [sflag:$0x3], $0x4000, s23, s22, $0x38;
	[tilespmem:$0x1E490] =	vst v63  }
0x65: {  	s0 =	sshll.u32 @!p1 s2, $0x8  }
0x66: {  	s0 =	sadd.s32 @!p1 $0x200, s0  }
0x67: {  	s13 =	simm.s32 @!p1 $0x6410;
	s3 =	simm.s32 @!p1 $0x100;
	s0 =	sand.u32 @!p1 $0x3FFFFF00, s0  }
0x68: {  	[tilespmem:s13], [sflag:$0x1] =	stream.indirect.gather @!p1 [hbm4b:s7+s3], $0x40, s0, s3, $0xb8;
	[tilespmem:$0x1E490] =	vst v63  }
0x69: {  	s13 =	simm.s32 @!p1 $0xE410  }
0x6a: {  	[tilespmem:s13], [sflag:$0x1] =	stream.indirect.gather @!p1 [hbm4b:s8+s3], $0x40, s0, s3, $0xb8;
	[tilespmem:$0x1E490] =	vst v63  }
0x6b: {  	s0 =	sadd.s32 @!p1 $0x1, s2  }
0x6c: {  	s3 =	sxor.u32 @!p1 s0, s6  }
0x6d: {  	s0 =	sor.u32 @!p1 s0, s6;
	s3 =	sshrl.u32 @!p1 s3, $0x1  }
0x6e: {  	s0 =	ssub.s32 @!p1 s0, s3  }
0x6f: {  	s0 =	sand.u32 @!p1 $0x1FFFFFF8, s0  }
0x70: {  	s13 =	simm.s32 @!p1 $0x1E410;
	s3 =	simm.s32 @!p1 $0x0;
	s0 =	sadd.s32 @!p1 s1, s0  }
0x71: {  	[tilespmem:s13], [sflag:$0x1] =	stream.linear.gather @!p1 [hbm4b:s0+s3], $0x40, $0x38;
	[tilespmem:$0x1E490] =	vst v63  }
0x72: {  	_ =	swait.ge [sflag:s25], $0x4000  }
0x73: {  	[sflag:s25] =	ssyncset.done $0x0  }
0x74: {  	[sflag:s25] =	ssyncadd.s32 $0xFFFFC000  }
0x75: {  	_ =	swait.ge [sflag:s25], $0x4000  }
0x76: {  	[sflag:s25] =	ssyncset.done $0x0  }
0x77: {  	[sflag:s25] =	ssyncadd.s32 $0xFFFFC000  }
0x78: {  	_ =	swait.ge [sflag:s25], $0x40  }
0x79: {  	[sflag:s25] =	ssyncset.done $0x0  }
0x7a: {  	s0 =	simm.s32 @!p0 $0x4;
	[sflag:s25] =	ssyncadd.s32 $0xFFFFFFC0  }
0x7b: {  	_ =	swait.ge @!p0 [sflag:s0], $0x4000  }
0x7c: {  	[sflag:s0] =	ssyncset.done @!p0 $0x0  }
0x7d: {  	[sflag:s0] =	ssyncadd.s32 @!p0 $0xFFFFC000  }
0x7e: {  	v3 =	vld [tilespmem:$0x1E450]  }
0x7f: {  	v2 =	vld [tilespmem:$0x1E460]  }
0x80: {  	v1 =	vld [tilespmem:$0x1E470]  }
0x81: {  	s13 =	simm.s32 $0x0;
	v4 =	vld [tilespmem:$0x1E480]  }
0x82: {  	v5 =	vld [tilespmem:s13+$0x12440]  }
0x83: {  	v6 =	vld [tilespmem:s13+$0x12410]  }
0x84: {  	v7 =	vld [tilespmem:s13+$0xA440]  }
0x85: {  	v8 =	vld [tilespmem:s13+$0x12420]  }
0x86: {  	v9 =	vld [tilespmem:s13+$0x12430]  }
0x87: {  	v10 =	vld [tilespmem:s13+$0xA410];
	v5 =	vmul.f32 v5, v0  }
0x88: {  	v11 =	vld [tilespmem:s13+$0xA420]  }
0x89: {  	s0 =	simm.s32 $0x40;
	v12 =	vld [tilespmem:s13+$0xA430];
	v5 =	vadd.f32 v5, v7  }
0x8a: {  	v13 =	vld [tilespmem:s0+$0x12440];
	v7 =	vmul.f32 v6, v0  }
0x8b: {  	v14 =	vld [tilespmem:s0+$0x12410];
	v8 =	vmul.f32 v8, v0;
	v5 =	vadd.f32 v5, v4  }
0x8c: {  	v15 =	vld [tilespmem:s0+$0xA440];
	v7 =	vadd.f32 v7, v10;
	v10 =	vmul.f32 v9, v0  }
0x8d: {  	v6 =	vld [tilespmem:s0+$0x12420];
	v8 =	vadd.f32 v8, v11;
	[tilespmem:s13+$0x1A440] =	vst v5  }
0x8e: {  	v11 =	vadd.f32 v7, v3;
	v12 =	vadd.f32 v10, v12;
	v5 =	vld [tilespmem:s0+$0x12430]  }
0x8f: {  	v13 =	vmul.f32 v13, v0;
	v63 =	vadd.f32 v8, v2;
	v9 =	vld [tilespmem:s0+$0xA410]  }
0x90: {  	s16 =	sadd.s32 s2, s6;
	v7 =	vld [tilespmem:s0+$0xA420];
	[tilespmem:s13+$0x1A410] =	vst v11;
	v11 =	vadd.f32 v12, v1  }
0x91: {  	s15 =	simm.s32 $0x80;
	s3 =	sadd.s32 $0x1, s16;
	s16 =	simm.s32 $0x300;
	v10 =	vmul.f32 v14, v0;
	v12 =	vadd.f32 v13, v15;
	v8 =	vld [tilespmem:s0+$0xA430];
	[tilespmem:s13+$0x1A420] =	vst v63  }
.LBB2_5:
0x92: {  	p0 =	sne.s32 s16, $0xFF00;
	v13 =	vld [tilespmem:s15+$0x12440];
	v14 =	vmul.f32 v6, v0;
	[tilespmem:s13+$0x1A430] =	vst v11;
	s13 =	smov.u32 s0;
	s0 =	smov.u32 s15  }
0x93: {  	v11 =	vld [tilespmem:s0+$0x12410];
	v15 =	vmul.f32 v5, v0;
	v5 =	vadd.f32 v12, v4  }
0x94: {  	v12 =	vld [tilespmem:s0+$0xA440];
	v9 =	vadd.f32 v10, v9  }
.Ltmp3:
0x95: {  	v6 =	vld [tilespmem:s0+$0x12420];
	v7 =	vadd.f32 v14, v7;
	[tilespmem:s13+$0x1A440] =	vst v5;
	(pc) =	sbr.rel @p0 .LBB2_5-.Ltmp3, $4  }
0x96: {  	v5 =	vld [tilespmem:s0+$0x12430];
	v14 =	vadd.f32 v9, v3;
	v8 =	vadd.f32 v15, v8  }
0x97: {  	v9 =	vld [tilespmem:s0+$0xA410];
	v13 =	vmul.f32 v13, v0;
	v15 =	vadd.f32 v7, v2  }
0x98: {  	v10 =	vmul.f32 v11, v0;
	v7 =	vld [tilespmem:s0+$0xA420];
	[tilespmem:s13+$0x1A410] =	vst v14;
	v11 =	vadd.f32 v8, v1  }
0x99: {  	s15 =	sshra.s32 s16, $0x2;
	s16 =	sadd.s32 $0x100, s16;
	v8 =	vld [tilespmem:s0+$0xA430];
	v12 =	vadd.f32 v13, v12;
	[tilespmem:s13+$0x1A420] =	vst v15  }
0x9a: {  	v13 =	vld [tilespmem:s15+$0x12440];
	[tilespmem:s13+$0x1A430] =	vst v11  }
0x9b: {  	v11 =	vld [tilespmem:s15+$0x12410];
	v12 =	vadd.f32 v12, v4  }
0x9c: {  	v14 =	vld [tilespmem:s15+$0xA440];
	v9 =	vadd.f32 v10, v9  }
0x9d: {  	v15 =	vld [tilespmem:s15+$0x12420];
	[tilespmem:s0+$0x1A440] =	vst v12  }
0x9e: {  	v57 =	vld [tilespmem:s15+$0x12430];
	v9 =	vadd.f32 v9, v3  }
0x9f: {  	v6 =	vmul.f32 v6, v0;
	v12 =	vld [tilespmem:s15+$0xA410]  }
0xa0: {  	v5 =	vmul.f32 v5, v0;
	v16 =	vld [tilespmem:s15+$0xA420];
	[tilespmem:s0+$0x1A410] =	vst v9  }
0xa1: {  	v6 =	vadd.f32 v6, v7;
	v58 =	vmul.f32 v13, v0;
	v9 =	vld [tilespmem:s15+$0xA430]  }
0xa2: {  	v5 =	vadd.f32 v5, v8;
	v59 =	vmul.f32 v11, v0  }
0xa3: {  	v6 =	vadd.f32 v6, v2;
	v60 =	vmul.f32 v15, v0;
	v7 =	vadd.f32 v58, v14  }
0xa4: {  	s16 =	sshll.u32 s3, $0x8;
	v5 =	vadd.f32 v5, v1;
	v10 =	vmul.f32 v57, v0;
	v8 =	vadd.f32 v59, v12  }
0xa5: {  	s13 =	sand.u32 $0xF00, s16;
	[tilespmem:s0+$0x1A420] =	vst v6;
	v61 =	vadd.f32 v7, v4;
	v62 =	vadd.f32 v60, v16  }
0xa6: {  	s16 =	sshll.u32 s3, $0x2;
	s13 =	smul.u32 $0x3200, s13;
	[tilespmem:s0+$0x1A430] =	vst v5;
	v3 =	vadd.f32 v8, v3;
	v63 =	vadd.f32 v10, v9  }
.Ltmp4:
0xa7: {  	s3 =	sand.u32 $0x7FFFFFC0, s16;
	[tilespmem:s15+$0x1A440] =	vst v61;
	v2 =	vadd.f32 v62, v2;
	(pc) =	sbr.rel @p1 .LBB2_8-.Ltmp4, $4  }
0xa8: {  	s0 =	sadd.s32 s3, s13;
	[tilespmem:s15+$0x1A410] =	vst v3;
	v1 =	vadd.f32 v63, v1  }
0xa9: {  	s0 =	sshrl.u32 s0, $0x3;
	[tilespmem:s15+$0x1A420] =	vst v2  }
0xaa: {  	s0 =	sadd.s32 s4, s0;
	[tilespmem:s15+$0x1A430] =	vst v1  }
0xab: {  	[hbm4b:s0+s22] =	stream.strided.scatter [tilespmem:s26], [sflag:$0x4], $0x4000, s23, s22, $0x38;
	[tilespmem:$0x1E490] =	vst v63  }
0xac: {  	s0 =	sshll.u32 s2, $0x8  }
0xad: {  	s0 =	sadd.s32 $0x300, s0  }
0xae: {  	s16 =	sadd.s32 $0x2, s2;
	s0 =	sand.u32 $0x3FFFFF00, s0  }
0xaf: {  	[tilespmem:s18], [sflag:$0x2] =	stream.indirect.gather [hbm4b:s7+s14], $0x40, s0, s14, $0xb8;
	[tilespmem:$0x1E490] =	vst v63  }
0xb0: {  	s2 =	sxor.u32 s16, s6  }
0xb1: {  	[tilespmem:s19], [sflag:$0x2] =	stream.indirect.gather [hbm4b:s8+s14], $0x40, s0, s14, $0xb8;
	[tilespmem:$0x1E490] =	vst v63  }
.Ltmp5:
0xb2: {  	s2 =	sshrl.u32 s2, $0x1;
	s0 =	sor.u32 s16, s6;
	(pc) =	sbr.rel .LBB2_2-.Ltmp5, $4  }
0xb3: {  	s0 =	ssub.s32 s0, s2  }
0xb4: {  	s0 =	sand.u32 $0x1FFFFFF8, s0  }
0xb5: {  	s31 =	sadd.s32 $0x1, s31;
	s0 =	sadd.s32 s1, s0  }
0xb6: {  	[tilespmem:s20], [sflag:$0x2] =	stream.linear.gather [hbm4b:s0+s5], $0x40, $0x38;
	[tilespmem:$0x1E490] =	vst v63  }
.LBB2_9:
0xb7: {  	_ =	sfence.sel $0x180000  }
0xb8: {  	[bflag:$0x0] =	sbarrier.arrive $0xFFFF  }
0xb9: {  	_ =	strace $0x90000047  }
0xba: {  	s0 =	stileid.u32;
	[bflag:$0x2] =	sbarrier.arrive $0xFFFF  }
0xbb: {  	p0 =	sne.s32 s0, $0x0;
	s0 =	rddreg [dreg:$0x4]  }
0xbc: {  	s0 =	sadd.s32 @!p0 $0x100000, s0  }
0xbd: {  	[sflag:s0] =	ssyncadd.tile.s32 @!p0 $0x1;
	_ =	shalt  }
.Lfunc_end2:
_tile_overlayer_lowered:
.L_overlay_start_2:
0xbe: {  	(tag) =	ssettag $0x2  }
0xbf: {  	s0 =	rddreg [dreg:$0x0];
	s2 =	stileid.u32  }
0xc0: {  	s1 =	rddreg [dreg:$0x1];
	p0 =	sne.s32 s2, $0x0  }
0xc1: {  	s3 =	rddreg [dreg:$0x2];
	[bflag:$0x3] =	sbarrier.arrive $0xFFFF;
	s2 =	simm.s32 @!p0 $0x1C05  }
0xc2: {  	[timem:s3], [sflag:s2] =	dma.local @!p0 [hbm:s0], s1  }
0xc3: {  	s0 =	simm.s32 @!p0 $0x5  }
0xc4: {  	_ =	swait.ge @!p0 [sflag:s0], s1  }
0xc5: {  	s1 =	ssub.s32 @!p0 $0x0, s1;
	[sflag:s0] =	ssyncset.done @!p0 $0x0  }
0xc6: {  	[sflag:s0] =	ssyncadd.s32 @!p0 s1  }
0xc7: {  	[bflag:$0x3] =	sbarrier.arrive $0xFFFF  }
0xc8: {  	_ =	shalt  }

// kernel: sparse-core-data-format-call.cloned.1.call-start
scs
called_computation_lowered:
.L_overlay_start_0:
0x0: {  	s2 =	sld [smem:$0x3FD9]  }
0x1: {  	s3 =	sld [smem:$0x3FFE];
	_ =	sdelay $0x1  }
0x2: {  	s1 =	srdreg.scid  }
0x3: {  	s0 =	sand.u32 $0x1, s1  }
0x4: {  	s18 =	sshll.u32 s0, $0xA;
	s2 =	sadd.s32 s3, s2  }
0x5: {  	s2 =	sadd.s32 s2, s18  }
0x6: {  	[smem:$0x3FC3] =	sst s2  }
0x7: {  	_ = 	snop  }
0x8: {  	s2 =	sld [smem:$0x3FD0];
	(tm) =	ssettm $0x1  }
0x9: {  	s19 =	sld [smem:$0x3FFB];
	_ =	sdelay $0x3  }
0xa: {  	_ =	strace s19  }
0xb: {  	s3 =	sld [smem:$0x3FFC];
	_ =	sdelay $0x3  }
0xc: {  	_ =	strace s3  }
0xd: {  	s3 =	sld [smem:$0x3FFD];
	_ =	sdelay $0x3  }
0xe: {  	_ =	strace s3  }
0xf: {  	_ =	strace $0x8FFFFFFF  }
0x10: {  	s20 =	sld [smem:$0x3FDB];
	_ =	sdelay $0x1  }
0x11: {  	s4 =	simm.s32 $_scs_section_size  }
0x12: {  	s5 =	simm.s32 $_size__tile_overlayer_lowered;
	s6 =	simm.s32 $_tile_overlayer_lowered  }
0x13: {  	s23 =	simm.s32 $0x1BFF;
	s22 =	sshll.u32 s6, $0x1;
	s3 =	sadd.s32 s4, s20  }
0x14: {  	s7 =	simm.s32 $0x0;
	s21 =	sshll.u32 s5, $0x1;
	s5 =	sadd.s32 s22, s3  }
0x15: {  	[timem:s7], [sflag:s23] =	dma.local [hbm:s5], s21  }
0x16: {  	_ =	swait.ge [sflag:s23], s21  }
0x17: {  	s4 =	ssub.s32 $0x0, s21;
	[sflag:s23] =	ssyncset.done $0x0  }
0x18: {  	[sflag:s23] =	ssyncadd.s32 s4;
	_ =	sdelay $0x1  }
0x19: {  	s24 =	simm.s32 $0x1B8B  }
0x1a: {  	_ =	swait.ge [sflag:s24], $0x1  }
0x1b: {  	[sflag:s24] =	ssyncset.done $0x0  }
0x1c: {  	s26 =	simm.s32 $0x1B8E;
	s25 =	sld [smem:$0x3FFE];
	[sflag:s24] =	ssyncadd.s32 $0xFFFFFFFF  }
0x1d: {  	s27 =	simm.s32 $execute0_lowered;
	[smem:$0x3FD2] =	sst s26  }
0x1e: {  	s5 =	sshll.u32 s27, $0x1;
	_ =	strace $0x80000049;
	[dreg:$0x1] =	wrdreg $0xFFFFFFFF  }
0x1f: {  	s28 =	simm.s32 $_size_execute0_lowered;
	s3 =	sadd.s32 s3, s5;
	[dreg:$0x0] =	wrdreg $0x0  }
0x20: {  	s5 =	sshll.u32 s28, $0x1;
	[dreg:$0x2] =	wrdreg s3  }
0x21: {  	[dreg:$0x3] =	wrdreg s5  }
0x22: {  	[dreg:$0x4] =	wrdreg $0xC0  }
0x23: {  	_ =	task [dreg:s7], $0x5FFFF  }
0x24: {  	[dreg:$0x1] =	wrdreg $0xFFFFFFFF  }
0x25: {  	[dreg:$0x0] =	wrdreg $0x60  }
0x26: {  	[dreg:$0x2] =	wrdreg s25  }
0x27: {  	[dreg:$0x3] =	wrdreg s2  }
0x28: {  	[dreg:$0x4] =	wrdreg $0x9  }
0x29: {  	_ =	task.clear_ibuf [dreg:s7], $0x5FFFF;
	_ =	strace $0x90000049  }
0x2a: {  	s29 =	simm.s32 $0x9;
	_ =	strace $0x8000004B  }
0x2b: {  	_ =	swait.ge [sflag:s29], $0x1  }
0x2c: {  	[sflag:s29] =	ssyncadd.s32 $0xFFFFFFFF  }
0x2d: {  	_ =	strace $0x9000004B  }
0x2e: {  	_ =	sfence  }
0x2f: {  	s30 =	sld [smem:$0x0];
	_ =	sdelay $0x2  }
0x30: {  	s31 =	sshll.u32 s1, $0xD;
	s1 =	sshrl.u32 s1, $0x2  }
0x31: {  	s3 =	sand.u32 $0x4000, s31;
	s1 =	sadd.s32 s1, s30  }
0x32: {  	s0 =	sor.u32 s3, s0;
	s1 =	sshll.u32 s1, $0x11  }
0x33: {  	s0 =	sor.u32 s1, s0  }
0x34: {  	s0 =	sadd.s32 $0x8F2B, s0  }
0x35: {  	[sflag:s0] =	ssyncadd.remote.s32 $0x1  }
0x36: {  	_ =	sfence.sel $0xFFFF  }
0x37: {  	[dreg:$0x0] =	wrdreg $0xFFFFFFFF;
	(pc) =	sbr.abs _section_cstart, $3  }
0x38: {  	[dreg:$0x1] =	wrdreg $0xFFFFFFFF  }
0x39: {  	_ =	task.clear_ibuf [dreg:s7], $0x2FFFF;
	_ =	strace $0x9FFFFFFF  }
0x3a: {  	(tm) =	ssettm $0x7FFFFFFF  }
0x3b: {  	_ =	shalt  }
tec
execute0_lowered:
.L_overlay_start_1:
0x0: {  	(tag) =	ssettag $0x1  }
0x1: {  	s0 =	srdreg.scid  }
0x2: {  	s1 =	sshll.u32 s0, $0x4  }
0x3: {  	s0 =	stileid.u32;
	s1 =	sand.u32 $0x10, s1  }
0x4: {  	s1 =	sor.u32 s0, s1  }
0x5: {  	s6 =	rddreg [dreg:$0x0];
	s4 =	simm.s32 $0x1;
	s2 =	sshll.u32 s1, $0x7  }
0x6: {  	s7 =	simm.s32 $0x2;
	s12 =	simm.s32 $0x0;
	s1 =	ssub.s32 $0x1000, s2  }
0x7: {  	s8 =	simm.s32 $0x8000;
	s13 =	simm.s32 $0x0;
	s3 =	sand.u32 $0xF80, s1  }
0x8: {  	s9 =	simm.s32 $0x0;
	s5 =	sshrl.u32 s1, $0xC;
	p0 =	sne.s32 s3, $0x0  }
.Ltmp0:
0x9: {  	s1 =	rddreg [dreg:$0x2];
	s4 =	simm.s32 @!p0 $0x0;
	(pc) =	sbr.rel .LBB1_1-.Ltmp0, $4  }
0xa: {  	s11 =	simm.s32 $0x0;
	s3 =	rddreg [dreg:$0x1];
	s5 =	sadd.s32 s4, s5  }
0xb: {  	_ =	strace $0x8000004A;
	s4 =	simm.s32 $0x1;
	s5 =	smul.u32 $0xC8, s5  }
0xc: {  	s6 =	sadd.s32 $0xA00, s6;
	s10 =	smov.u32 s2;
	[sflag:s4] =	ssyncpa.u1 $0x0  }
0xd: {  	p0 =	por $0x0, $0x0;
	[sflag:s7] =	ssyncpa.u1 $0x0;
	s7 =	sor.u32 $0x1, s5  }
.LBB1_4:
0xe: {  	s16 =	sshll.u32 s13, $0x3;
	s17 =	sand.u32 $0x78, s13  }
0xf: {  	s30 =	sand.u32 $0x7E00, s13;
	s12 =	sshll.u32 s12, $0xF;
	s16 =	sand.u32 $0xC00, s16  }
0x10: {  	[tilespmem:s15+$0x810 ss:$0x81] =	vst.msk $0xffff, v2;
	s31 =	sand.u32 $0x7, s13;
	s16 =	sor.u32 s17, s16;
	s17 =	sadd.s32 s3, s30  }
0x11: {  	[tilespmem:s15+$0x1020 ss:$0x81] =	vst.msk $0xffff, v0;
	s13 =	sshll.u32 s31, $0x12;
	s12 =	sadd.s32 s12, s17;
	s16 =	sshrl.u32 s16, $0x3  }
0x12: {  	[tilespmem:s15+$0x0 ss:$0x81] =	vst.msk $0xffff, v1;
	s13 =	sor.u32 $0x400, s13;
	s12 =	sadd.s32 s16, s12  }
0x13: {  	[hbm4b:s12+s13] =	stream.strided.scatter [tilespmem:s14], [sflag:$0x2], $0x2000, s8, s13, $0x20;
	[tilespmem:$0x8080] =	vst v63  }
.LBB1_5:
0x14: {  	s14 =	sadd.s32 $0x1, s9  }
0x15: {  	s12 =	sadd.s32 $0x1000, s10;
	s16 =	smov.u32 s10;
	p2 =	sgt.s32 s14, $0xC7  }
0x16: {  	s16 =	smov.u32 @p2 s12  }
0x17: {  	s14 =	simm.s32 @p2 $0x0;
	p2 =	sgt.s32 s16, $0xFFF  }
0x18: {  	s16 =	smov.u32 @p2 s2;
	p2 =	sne.s32 s11, s7  }
.Ltmp1:
0x19: {  	p1 =	slt.u32 s11, $0x2;
	(pc) =	sbr.rel @!p2 .LBB1_6-.Ltmp1, $4  }
0x1a: {  	s15 =	simm.s32 @!p1 $0x2  }
0x1b: {  	s13 =	smov.u32 s10;
	p0 =	por !p0, !p0;
	_ =	swait.ge @!p1 [sflag:s15], $0x2000  }
0x1c: {  	s12 =	smov.u32 s9;
	[sflag:s15] =	ssyncset.done @!p1 $0x0;
	s9 =	smov.u32 s14  }
0x1d: {  	s11 =	sadd.s32 $0x1, s11;
	[sflag:s15] =	ssyncadd.s32 @!p1 $0xFFFFE000;
	s10 =	smov.u32 s16  }
.LBB1_1:
0x1e: {  	p1 =	sge.u32 s11, s5  }
0x1f: {  	s14 =	sand.u32 @!p1 $0x1FFFFFF, s9  }
0x20: {  	s15 =	smulhi.u32 @!p1 $0x147AE15, s14;
	_ =	sdelay $0x1  }
0x21: {  	s15 =	smul.u32 @!p1 $0xC8, s15  }
0x22: {  	s16 =	sxor.u32 @!p1 $0xFFFFFFFF, s11;
	s17 =	smul.u32 @!p1 $0xC80, s10  }
0x23: {  	s31 =	sadd.s32 $0xFFFFFFFF, s11;
	s16 =	sshll.u32 @!p1 s16, $0xD;
	s14 =	ssub.s32 @!p1 s14, s15  }
0x24: {  	s15 =	sand.u32 @!p1 $0x2000, s16;
	s16 =	sadd.s32 @!p1 s6, s17;
	s14 =	sshll.u32 @!p1 s14, $0x4  }
0x25: {  	s17 =	simm.s32 @!p1 $0x6400;
	s14 =	sadd.s32 @!p1 s14, s16;
	s16 =	simm.s32 @!p1 $0x40  }
0x26: {  	[tilespmem:s15], [sflag:$0x1] =	stream.strided.gather @!p1 [hbm4b:s14+s16], $0x2000, s17, s16, $0x38;
	[tilespmem:$0x8080] =	vst v63  }
0x27: {  	p1 =	sge.u32 s31, s5  }
.Ltmp2:
0x28: {  	_ = 	snop;
	(pc) =	sbr.rel @p1 .LBB1_5-.Ltmp2, $1  }
0x29: {  	_ =	sdelay $0x3  }
0x2a: {  	s14 =	simm.s32 $0x1  }
0x2b: {  	_ =	swait.ge [sflag:s4], $0x2000;
	s14 =	simm.s32 @!p0 $0x0  }
0x2c: {  	[sflag:s4] =	ssyncset.done $0x0;
	s15 =	sshll.u32 s14, $0xD  }
0x2d: {  	[sflag:s4] =	ssyncadd.s32 $0xFFFFE000;
	s18 =	sor.u32 $0x20, s15  }
0x2e: {  	s14 =	smul.u32 $0x8100, s14;
	v3 =	vld [tilespmem:s18+$0x10]  }
0x2f: {  	s30 =	sand.u32 $0x1, s11;
	v2 =	vld [tilespmem:s18+$0xFFFFFFF0]  }
0x30: {  	s15 =	smul.u32 $0x8100, s30;
	s14 =	sshrl.u32 s14, $0x2;
	v0 =	vld [tilespmem:s18+$0x0]  }
0x31: {  	v1 =	vld [tilespmem:s18+$0xFFFFFFE0];
	s16 =	sor.u32 $0x4000, s14  }
0x32: {  	s31 =	sshrl.u32 s15, $0x2;
	s15 =	sadd.s32 $0x0, s16  }
0x33: {  	s17 =	simm.s32 $0x4;
	s18 =	sadd.s32 $0x40, s18;
	s14 =	sor.u32 $0x4000, s31;
	[tilespmem:s15+$0x1830 ss:$0x81] =	vst.msk $0xffff, v3  }
.LBB1_3:
0x34: {  	v3 =	vld [tilespmem:s18+$0x10];
	p1 =	sne.s32 s17, $0x1FC;
	[tilespmem:s15+$0x810 ss:$0x81] =	vst.msk $0xffff, v2;
	s19 =	smov.u32 s17;
	s17 =	sadd.s32 $0x4, s17  }
.Ltmp3:
0x35: {  	v2 =	vld [tilespmem:s18+$0xFFFFFFF0];
	[tilespmem:s15+$0x1020 ss:$0x81] =	vst.msk $0xffff, v0;
	(pc) =	sbr.rel @p1 .LBB1_3-.Ltmp3, $4  }
0x36: {  	v0 =	vld [tilespmem:s18+$0x0];
	[tilespmem:s15+$0x0 ss:$0x81] =	vst.msk $0xffff, v1  }
0x37: {  	s15 =	sshra.s32 s19, $0x2;
	v1 =	vld [tilespmem:s18+$0xFFFFFFE0]  }
0x38: {  	s15 =	sadd.s32 s15, s16  }
0x39: {  	s18 =	sadd.s32 $0x40, s18;
	[tilespmem:s15+$0x1830 ss:$0x81] =	vst.msk $0xffff, v3  }
.Ltmp4:
0x3a: {  	_ = 	snop;
	(pc) =	sbr.rel .LBB1_4-.Ltmp4, $1  }
0x3b: {  	_ =	sdelay $0x3  }
.LBB1_6:
0x3c: {  	_ =	sfence.sel $0x180000  }
0x3d: {  	s2 =	simm.s32 $0x1;
	[bflag:$0x0] =	sbarrier.arrive $0xFFFF  }
0x3e: {  	s31 =	simm.s32 $0x2;
	[sflag:s2] =	ssyncpa.u1 $0x1  }
0x3f: {  	[sflag:s31] =	ssyncpa.u1 $0x1  }
0x40: {  	p0 =	sne.s32 s0, $0x0;
	_ =	strace $0x9000004A  }
0x41: {  	s0 =	sadd.s32 @!p0 $0x100000, s1;
	[bflag:$0x2] =	sbarrier.arrive $0xFFFF  }
0x42: {  	[sflag:s0] =	ssyncadd.tile.s32 @!p0 $0x1;
	_ =	shalt  }
.Lfunc_end1:
_tile_overlayer_lowered:
.L_overlay_start_2:
0x43: {  	(tag) =	ssettag $0x2  }
0x44: {  	s0 =	rddreg [dreg:$0x0];
	s2 =	stileid.u32  }
0x45: {  	s1 =	rddreg [dreg:$0x1];
	p0 =	sne.s32 s2, $0x0  }
0x46: {  	s3 =	rddreg [dreg:$0x2];
	[bflag:$0x3] =	sbarrier.arrive $0xFFFF;
	s2 =	simm.s32 @!p0 $0x1C01  }
0x47: {  	[timem:s3], [sflag:s2] =	dma.local @!p0 [hbm:s0], s1  }
0x48: {  	s0 =	simm.s32 @!p0 $0x1  }
0x49: {  	_ =	swait.ge @!p0 [sflag:s0], s1  }
0x4a: {  	s1 =	ssub.s32 @!p0 $0x0, s1;
	[sflag:s0] =	ssyncset.done @!p0 $0x0  }
0x4b: {  	[sflag:s0] =	ssyncadd.s32 @!p0 s1  }
0x4c: {  	[bflag:$0x3] =	sbarrier.arrive $0xFFFF  }
0x4d: {  	_ =	shalt  }

</sc_bundles>
